<compile_context>
chip_gen: v7x
topology: tpu7x:2x2x1
jax: 0.10.2.dev20260603
libtpu: 0.0.44.dev20260713+nightly
codegen_flags: <defaults>
</compile_context>

<pallas_src>
import functools

import jax
import jax.numpy as jnp
from jax import lax
from jax.experimental import pallas as pl
from jax.experimental.pallas import tpu as pltpu
from jax.experimental.pallas import tpu_sc as plsc

B, C, H, W = 4, 192, 384, 384
HW = H * W
P = B * HW
NW = 32
CHUNK = P // NW
ROW = 128
NROWS = CHUNK // ROW
VPR = ROW // 16

_mesh = plsc.VectorSubcoreMesh(core_axis_name="c", subcore_axis_name="s")


@functools.partial(
    pl.kernel,
    out_type=jax.ShapeDtypeStruct((NW, 2, 16), jnp.float32),
    mesh=_mesh,
    scratch_types=[
        pltpu.VMEM((CHUNK,), jnp.int32),
        pltpu.VMEM((CHUNK,), jnp.float32),
        pltpu.VMEM((CHUNK,), jnp.int32),
        pltpu.VMEM((CHUNK,), jnp.int32),
        pltpu.VMEM((2, 16), jnp.float32),
        pltpu.SemaphoreType.DMA,
    ],
)
def _nll_gather(pred_hbm, label_hbm, mask_hbm, out_hbm,
                label_v, mask_v, idx_v, vals_v, acc_v, sem):
    wid = lax.axis_index("s") * 2 + lax.axis_index("c")
    base = wid * CHUNK
    b = base // HW
    off = b * (C - 1) * HW
    lane = lax.iota(jnp.int32, 16)
    oddlane = (lane & 1) != 0

    pltpu.sync_copy(label_hbm.at[pl.ds(base, CHUNK)], label_v)
    pltpu.sync_copy(mask_hbm.at[pl.ds(base, CHUNK)], mask_v)

    def idx_body(j, _):
        for k in range(VPR):
            i0 = j * ROW + k * 16
            lab = label_v[pl.ds(i0, 16)]
            idx_v[pl.ds(i0, 16)] = (((base + i0 + off) >> 1) + (lane >> 1)
                                    + lab * (HW // 2))
        return 0
    lax.fori_loop(0, NROWS, idx_body, 0)

    pltpu.async_copy(pred_hbm.at[idx_v], vals_v, sem).wait()

    def acc_body(j, carry):
        s, cnt = carry
        for k in range(VPR):
            i0 = j * ROW + k * 16
            w32 = vals_v[pl.ds(i0, 16)]
            hi = w32 & jnp.int32(-65536)
            lo = w32 << 16
            v = jax.lax.bitcast_convert_type(
                jnp.where(oddlane, hi, lo), jnp.float32)
            m = mask_v[pl.ds(i0, 16)]
            sel = m >= 0.5
            s = s + jnp.where(sel, v, 0.0)
            cnt = cnt + jnp.where(sel, 1.0, 0.0)
        return s, cnt
    zero = jnp.zeros((16,), jnp.float32)
    s, cnt = lax.fori_loop(0, NROWS, acc_body, (zero, zero))

    acc_v[0, :] = s
    acc_v[1, :] = cnt
    pltpu.sync_copy(acc_v, out_hbm.at[wid])


@jax.jit
def kernel(pred_logit, gt_label_, gt_mask):
    pred16 = pred_logit.astype(jnp.bfloat16).reshape(-1)
    words = jax.lax.bitcast_convert_type(
        pred16.reshape(B * C * H * W // 2, 2), jnp.int32)
    label_flat = gt_label_.reshape(-1)
    mask_flat = gt_mask.reshape(-1)
    partials = _nll_gather(words, label_flat, mask_flat)
    total = partials[:, 0, :].sum()
    num_valid = partials[:, 1, :].sum()
    return -total / jnp.maximum(num_valid, 1.0)

# --- scband reference (transcript-rebuilt; emitter-appended) ---
"""Pipeline reference for scband-mask-recon-loss-28441273434835 (READ-ONLY COPY).

The authoritative reference and input builder live on the scoring server;
editing this copy changes nothing except your own understanding.
"""

import jax, jax.numpy as jnp
import numpy as np

IGNORE_INDEX = 255

def setup_inputs(seed: int = 0) -> dict:
    key = jax.random.key(seed)
    k1, k2, k3 = jax.random.split(key, 3)
    pred_logit = jax.random.normal(k1, (4, 192, 384, 384), dtype=jnp.float32)
    # log-softmax so pred_logit behaves like log-probabilities (NLLLoss input)
    pred_logit = jax.nn.log_softmax(pred_logit, axis=1)
    gt_label_ = jax.random.randint(k2, (4, 384, 384), 0, 192, dtype=jnp.int32)
    gt_mask = jax.random.uniform(k3, (4, 1, 384, 384), dtype=jnp.float32)
    return {"pred_logit": pred_logit, "gt_label_": gt_label_, "gt_mask": gt_mask}

def reference(pred_logit, gt_label_, gt_mask):
    # gt_label[b, h, w] = IGNORE_INDEX where gt_mask[b, 0, h, w] < 0.5
    mask = gt_mask[:, 0, :, :] < 0.5
    gt_label = jnp.where(mask, IGNORE_INDEX, gt_label_)
    # NLLLoss2d with ignore_index and mean reduction over non-ignored pixels
    valid = gt_label != IGNORE_INDEX
    safe_label = jnp.where(valid, gt_label, 0)
    picked = jnp.take_along_axis(pred_logit, safe_label[:, None, :, :], axis=1)[:, 0, :, :]
    num_valid = jnp.sum(valid)
    loss = -jnp.sum(jnp.where(valid, picked, 0.0)) / jnp.maximum(num_valid, 1).astype(jnp.float32)
    return loss

if __name__ == "__main__":
    import jax
    _d = setup_inputs()
    print(jax.jit(kernel)(*tuple(_d.values())))

</pallas_src>

<mosaic_0001>
#map = affine_map<(d0, d1) -> (0)>
#map1 = affine_map<(d0, d1) -> (0, 0, 0)>
module attributes {stable_mosaic.version = 14 : i64} {
  func.func @_nll_gather(%arg0: i32, %arg1: i32, %arg2: memref<56623104xi32, #tpu.memory_space<hbm>>, %arg3: memref<589824xi32, #tpu.memory_space<hbm>>, %arg4: memref<589824xf32, #tpu.memory_space<hbm>>, %arg5: memref<32x2x16xf32, #tpu.memory_space<hbm>>, %arg6: memref<18432xi32, #tpu.memory_space<vmem>>, %arg7: memref<18432xf32, #tpu.memory_space<vmem>>, %arg8: memref<18432xi32, #tpu.memory_space<vmem>>, %arg9: memref<18432xi32, #tpu.memory_space<vmem>>, %arg10: memref<2x16xf32, #tpu.memory_space<vmem>>, %arg11: memref<!tpu.dma_semaphore, #tpu.memory_space<semaphore_mem>>) attributes {dimension_semantics = [#tpu.dimension_semantics<core_parallel>, #tpu.dimension_semantics<subcore_parallel>], iteration_bounds = array<i64: 2, 16>, scalar_prefetch = 0 : i64, scratch_operands = 6 : i64, tpu.core_type = #tpu.core_type<sc_vector_subcore>, window_params = [{transform_indices = #map}, {transform_indices = #map}, {transform_indices = #map}, {transform_indices = #map1}]} {
    %mul3A = arith.constant 2 : i32
    %mul3A_0 = arith.muli %arg1, %mul3A : i32
    %add3A = arith.addi %mul3A_0, %arg0 : i32
    %mul3A_1 = arith.constant 18432 : i32
    %mul3A_2 = arith.muli %add3A, %mul3A_1 : i32
    %jit3A = arith.constant 147456 : i32
    %div3A = arith.divsi %mul3A_2, %jit3A : i32
    %sign3A = arith.constant 0 : i32
    %sign3A_3 = arith.cmpi sgt, %mul3A_2, %sign3A : i32
    %sign3A_4 = arith.extui %sign3A_3 : i1 to i32
    %sign3A_5 = arith.constant 0 : i32
    %sign3A_6 = arith.cmpi slt, %mul3A_2, %sign3A_5 : i32
    %sign3A_7 = arith.extui %sign3A_6 : i1 to i32
    %sign3A_8 = arith.subi %sign3A_4, %sign3A_7 : i32
    %sign3A_9 = arith.constant 0 : i32
    %sign3A_10 = arith.cmpi sgt, %jit3A, %sign3A_9 : i32
    %sign3A_11 = arith.extui %sign3A_10 : i1 to i32
    %sign3A_12 = arith.constant 0 : i32
    %sign3A_13 = arith.cmpi slt, %jit3A, %sign3A_12 : i32
    %sign3A_14 = arith.extui %sign3A_13 : i1 to i32
    %sign3A_15 = arith.subi %sign3A_11, %sign3A_14 : i32
    %ne3A = arith.cmpi ne, %sign3A_8, %sign3A_15 : i32
    %rem3A = arith.remsi %mul3A_2, %jit3A : i32
    %ne3A_16 = arith.constant 0 : i32
    %ne3A_17 = arith.cmpi ne, %rem3A, %ne3A_16 : i32
    %and3A = arith.andi %ne3A, %ne3A_17 : i1
    %sub3A = arith.constant 1 : i32
    %sub3A_18 = arith.subi %div3A, %sub3A : i32
    %select_n3A = arith.select %and3A, %sub3A_18, %div3A : i32
    %mul3A_19 = arith.constant 191 : i32
    %mul3A_20 = arith.muli %select_n3A, %mul3A_19 : i32
    %mul3A_21 = arith.constant 147456 : i32
    %mul3A_22 = arith.muli %mul3A_20, %mul3A_21 : i32
    %iota3A = tpu.iota {dimensions = array<i32: 0>} : vector<16xi32>
    %and3A_23 = arith.constant 1 : i32
    %and3A_24 = vector.broadcast %and3A_23 : i32 to vector<16xi32>
    %and3A_25 = arith.andi %iota3A, %and3A_24 : vector<16xi32>
    %ne3A_26 = arith.constant 0 : i32
    %ne3A_27 = vector.broadcast %ne3A_26 : i32 to vector<16xi32>
    %ne3A_28 = arith.cmpi ne, %and3A_25, %ne3A_27 : vector<16xi32>
    "tpu.region"() ({
      %run_scoped3A = tpu.sem_alloc : memref<!tpu.dma_semaphore, #tpu.memory_space<semaphore_mem>>
      %dma_start3A_55 = tpu.memref_slice %arg3[%mul3A_2] : memref<589824xi32, #tpu.memory_space<hbm>> -> memref<18432xi32, #tpu.memory_space<hbm>>
      %dma_start3A_56 = tpu.memref_slice %arg3[%mul3A_2] : memref<589824xi32, #tpu.memory_space<hbm>> -> memref<18432xi32, #tpu.memory_space<hbm>>
      tpu.enqueue_dma source(%dma_start3A_56 : memref<18432xi32, #tpu.memory_space<hbm>>) target(%arg6 : memref<18432xi32, #tpu.memory_space<vmem>>) target_semaphore(%run_scoped3A : memref<!tpu.dma_semaphore, #tpu.memory_space<semaphore_mem>>)
      %dma_wait3A_57 = tpu.memref_slice %arg3[%mul3A_2] : memref<589824xi32, #tpu.memory_space<hbm>> -> memref<18432xi32, #tpu.memory_space<hbm>>
      %dma_wait3A_58 = tpu.memref_slice %arg3[%mul3A_2] : memref<589824xi32, #tpu.memory_space<hbm>> -> memref<18432xi32, #tpu.memory_space<hbm>>
      tpu.wait_dma2 semaphore(%run_scoped3A : memref<!tpu.dma_semaphore, #tpu.memory_space<semaphore_mem>>) src(%dma_wait3A_58 : memref<18432xi32, #tpu.memory_space<hbm>>) dst(%arg6 : memref<18432xi32, #tpu.memory_space<vmem>>)
      tpu.yield
    }) : () -> ()
    "tpu.region"() ({
      %run_scoped3A = tpu.sem_alloc : memref<!tpu.dma_semaphore, #tpu.memory_space<semaphore_mem>>
      %dma_start3A_55 = tpu.memref_slice %arg4[%mul3A_2] : memref<589824xf32, #tpu.memory_space<hbm>> -> memref<18432xf32, #tpu.memory_space<hbm>>
      %dma_start3A_56 = tpu.memref_slice %arg4[%mul3A_2] : memref<589824xf32, #tpu.memory_space<hbm>> -> memref<18432xf32, #tpu.memory_space<hbm>>
      tpu.enqueue_dma source(%dma_start3A_56 : memref<18432xf32, #tpu.memory_space<hbm>>) target(%arg7 : memref<18432xf32, #tpu.memory_space<vmem>>) target_semaphore(%run_scoped3A : memref<!tpu.dma_semaphore, #tpu.memory_space<semaphore_mem>>)
      %dma_wait3A_57 = tpu.memref_slice %arg4[%mul3A_2] : memref<589824xf32, #tpu.memory_space<hbm>> -> memref<18432xf32, #tpu.memory_space<hbm>>
      %dma_wait3A_58 = tpu.memref_slice %arg4[%mul3A_2] : memref<589824xf32, #tpu.memory_space<hbm>> -> memref<18432xf32, #tpu.memory_space<hbm>>
      tpu.wait_dma2 semaphore(%run_scoped3A : memref<!tpu.dma_semaphore, #tpu.memory_space<semaphore_mem>>) src(%dma_wait3A_58 : memref<18432xf32, #tpu.memory_space<hbm>>) dst(%arg7 : memref<18432xf32, #tpu.memory_space<vmem>>)
      tpu.yield
    }) : () -> ()
    %scan3A = arith.constant 0 : i32
    %scan3A_29 = arith.constant 0 : i32
    %scan3A_30 = arith.constant 144 : i32
    %scan3A_31 = arith.addi %scan3A_29, %scan3A_30 : i32
    %scan3A_32 = arith.constant 1 : i32
    %scan3A_33 = scf.for %scan3A_55 = %scan3A_29 to %scan3A_31 step %scan3A_32 iter_args(%scan3A_56 = %scan3A) -> (i32)  : i32 {
      %mul3A_57 = arith.constant 128 : i32
      %mul3A_58 = arith.muli %scan3A_55, %mul3A_57 : i32
      %add3A_59 = arith.constant 0 : i32
      %add3A_60 = arith.addi %mul3A_58, %add3A_59 : i32
      %get3A = arith.index_cast %add3A_60 : i32 to index
      %get3A_61 = tpu.vector_load %arg6[%get3A] {strides = array<i32>} : memref<18432xi32, #tpu.memory_space<vmem>>, vector<16xi32>,
      %get3A_62 = vector.shape_cast %get3A_61 : vector<16xi32> to vector<16xi32>
      %add3A_63 = arith.addi %mul3A_2, %add3A_60 : i32
      %add3A_64 = arith.addi %add3A_63, %mul3A_22 : i32
      %shift_right_arithmetic3A = arith.constant 1 : i32
      %shift_right_arithmetic3A_65 = arith.shrsi %add3A_64, %shift_right_arithmetic3A : i32
      %shift_right_arithmetic3A_66 = arith.constant 1 : i32
      %shift_right_arithmetic3A_67 = vector.broadcast %shift_right_arithmetic3A_66 : i32 to vector<16xi32>
      %shift_right_arithmetic3A_68 = arith.shrsi %iota3A, %shift_right_arithmetic3A_67 : vector<16xi32>
      %add3A_69 = vector.broadcast %shift_right_arithmetic3A_65 : i32 to vector<16xi32>
      %add3A_70 = arith.addi %add3A_69, %shift_right_arithmetic3A_68 : vector<16xi32>
      %mul3A_71 = arith.constant 73728 : i32
      %mul3A_72 = vector.broadcast %mul3A_71 : i32 to vector<16xi32>
      %mul3A_73 = arith.muli %get3A_62, %mul3A_72 : vector<16xi32>
      %add3A_74 = arith.addi %add3A_70, %mul3A_73 : vector<16xi32>
      %swap3A_75 = arith.index_cast %add3A_60 : i32 to index
      %swap3A_76 = tpu.vector_load %arg8[%swap3A_75] {strides = array<i32>} : memref<18432xi32, #tpu.memory_space<vmem>>, vector<16xi32>,
      %swap3A_77 = vector.shape_cast %swap3A_76 : vector<16xi32> to vector<16xi32>
      %swap3A_78 = vector.shape_cast %add3A_74 : vector<16xi32> to vector<16xi32>
      tpu.vector_store %arg8[%swap3A_75], %swap3A_78 {strides = array<i32>} : memref<18432xi32, #tpu.memory_space<vmem>>, vector<16xi32>,
      %mul3A_79 = arith.constant 128 : i32
      %mul3A_80 = arith.muli %scan3A_55, %mul3A_79 : i32
      %add3A_81 = arith.constant 16 : i32
      %add3A_82 = arith.addi %mul3A_80, %add3A_81 : i32
      %get3A_83 = arith.index_cast %add3A_82 : i32 to index
      %get3A_84 = tpu.vector_load %arg6[%get3A_83] {strides = array<i32>} : memref<18432xi32, #tpu.memory_space<vmem>>, vector<16xi32>,
      %get3A_85 = vector.shape_cast %get3A_84 : vector<16xi32> to vector<16xi32>
      %add3A_86 = arith.addi %mul3A_2, %add3A_82 : i32
      %add3A_87 = arith.addi %add3A_86, %mul3A_22 : i32
      %shift_right_arithmetic3A_88 = arith.constant 1 : i32
      %shift_right_arithmetic3A_89 = arith.shrsi %add3A_87, %shift_right_arithmetic3A_88 : i32
      %shift_right_arithmetic3A_90 = arith.constant 1 : i32
      %shift_right_arithmetic3A_91 = vector.broadcast %shift_right_arithmetic3A_90 : i32 to vector<16xi32>
      %shift_right_arithmetic3A_92 = arith.shrsi %iota3A, %shift_right_arithmetic3A_91 : vector<16xi32>
      %add3A_93 = vector.broadcast %shift_right_arithmetic3A_89 : i32 to vector<16xi32>
      %add3A_94 = arith.addi %add3A_93, %shift_right_arithmetic3A_92 : vector<16xi32>
      %mul3A_95 = arith.constant 73728 : i32
      %mul3A_96 = vector.broadcast %mul3A_95 : i32 to vector<16xi32>
      %mul3A_97 = arith.muli %get3A_85, %mul3A_96 : vector<16xi32>
      %add3A_98 = arith.addi %add3A_94, %mul3A_97 : vector<16xi32>
      %swap3A_99 = arith.index_cast %add3A_82 : i32 to index
      %swap3A_100 = tpu.vector_load %arg8[%swap3A_99] {strides = array<i32>} : memref<18432xi32, #tpu.memory_space<vmem>>, vector<16xi32>,
      %swap3A_101 = vector.shape_cast %swap3A_100 : vector<16xi32> to vector<16xi32>
      %swap3A_102 = vector.shape_cast %add3A_98 : vector<16xi32> to vector<16xi32>
      tpu.vector_store %arg8[%swap3A_99], %swap3A_102 {strides = array<i32>} : memref<18432xi32, #tpu.memory_space<vmem>>, vector<16xi32>,
      %mul3A_103 = arith.constant 128 : i32
      %mul3A_104 = arith.muli %scan3A_55, %mul3A_103 : i32
      %add3A_105 = arith.constant 32 : i32
      %add3A_106 = arith.addi %mul3A_104, %add3A_105 : i32
      %get3A_107 = arith.index_cast %add3A_106 : i32 to index
      %get3A_108 = tpu.vector_load %arg6[%get3A_107] {strides = array<i32>} : memref<18432xi32, #tpu.memory_space<vmem>>, vector<16xi32>,
      %get3A_109 = vector.shape_cast %get3A_108 : vector<16xi32> to vector<16xi32>
      %add3A_110 = arith.addi %mul3A_2, %add3A_106 : i32
      %add3A_111 = arith.addi %add3A_110, %mul3A_22 : i32
      %shift_right_arithmetic3A_112 = arith.constant 1 : i32
      %shift_right_arithmetic3A_113 = arith.shrsi %add3A_111, %shift_right_arithmetic3A_112 : i32
      %shift_right_arithmetic3A_114 = arith.constant 1 : i32
      %shift_right_arithmetic3A_115 = vector.broadcast %shift_right_arithmetic3A_114 : i32 to vector<16xi32>
      %shift_right_arithmetic3A_116 = arith.shrsi %iota3A, %shift_right_arithmetic3A_115 : vector<16xi32>
      %add3A_117 = vector.broadcast %shift_right_arithmetic3A_113 : i32 to vector<16xi32>
      %add3A_118 = arith.addi %add3A_117, %shift_right_arithmetic3A_116 : vector<16xi32>
      %mul3A_119 = arith.constant 73728 : i32
      %mul3A_120 = vector.broadcast %mul3A_119 : i32 to vector<16xi32>
      %mul3A_121 = arith.muli %get3A_109, %mul3A_120 : vector<16xi32>
      %add3A_122 = arith.addi %add3A_118, %mul3A_121 : vector<16xi32>
      %swap3A_123 = arith.index_cast %add3A_106 : i32 to index
      %swap3A_124 = tpu.vector_load %arg8[%swap3A_123] {strides = array<i32>} : memref<18432xi32, #tpu.memory_space<vmem>>, vector<16xi32>,
      %swap3A_125 = vector.shape_cast %swap3A_124 : vector<16xi32> to vector<16xi32>
      %swap3A_126 = vector.shape_cast %add3A_122 : vector<16xi32> to vector<16xi32>
      tpu.vector_store %arg8[%swap3A_123], %swap3A_126 {strides = array<i32>} : memref<18432xi32, #tpu.memory_space<vmem>>, vector<16xi32>,
      %mul3A_127 = arith.constant 128 : i32
      %mul3A_128 = arith.muli %scan3A_55, %mul3A_127 : i32
      %add3A_129 = arith.constant 48 : i32
      %add3A_130 = arith.addi %mul3A_128, %add3A_129 : i32
      %get3A_131 = arith.index_cast %add3A_130 : i32 to index
      %get3A_132 = tpu.vector_load %arg6[%get3A_131] {strides = array<i32>} : memref<18432xi32, #tpu.memory_space<vmem>>, vector<16xi32>,
      %get3A_133 = vector.shape_cast %get3A_132 : vector<16xi32> to vector<16xi32>
      %add3A_134 = arith.addi %mul3A_2, %add3A_130 : i32
      %add3A_135 = arith.addi %add3A_134, %mul3A_22 : i32
      %shift_right_arithmetic3A_136 = arith.constant 1 : i32
      %shift_right_arithmetic3A_137 = arith.shrsi %add3A_135, %shift_right_arithmetic3A_136 : i32
      %shift_right_arithmetic3A_138 = arith.constant 1 : i32
      %shift_right_arithmetic3A_139 = vector.broadcast %shift_right_arithmetic3A_138 : i32 to vector<16xi32>
      %shift_right_arithmetic3A_140 = arith.shrsi %iota3A, %shift_right_arithmetic3A_139 : vector<16xi32>
      %add3A_141 = vector.broadcast %shift_right_arithmetic3A_137 : i32 to vector<16xi32>
      %add3A_142 = arith.addi %add3A_141, %shift_right_arithmetic3A_140 : vector<16xi32>
      %mul3A_143 = arith.constant 73728 : i32
      %mul3A_144 = vector.broadcast %mul3A_143 : i32 to vector<16xi32>
      %mul3A_145 = arith.muli %get3A_133, %mul3A_144 : vector<16xi32>
      %add3A_146 = arith.addi %add3A_142, %mul3A_145 : vector<16xi32>
      %swap3A_147 = arith.index_cast %add3A_130 : i32 to index
      %swap3A_148 = tpu.vector_load %arg8[%swap3A_147] {strides = array<i32>} : memref<18432xi32, #tpu.memory_space<vmem>>, vector<16xi32>,
      %swap3A_149 = vector.shape_cast %swap3A_148 : vector<16xi32> to vector<16xi32>
      %swap3A_150 = vector.shape_cast %add3A_146 : vector<16xi32> to vector<16xi32>
      tpu.vector_store %arg8[%swap3A_147], %swap3A_150 {strides = array<i32>} : memref<18432xi32, #tpu.memory_space<vmem>>, vector<16xi32>,
      %mul3A_151 = arith.constant 128 : i32
      %mul3A_152 = arith.muli %scan3A_55, %mul3A_151 : i32
      %add3A_153 = arith.constant 64 : i32
      %add3A_154 = arith.addi %mul3A_152, %add3A_153 : i32
      %get3A_155 = arith.index_cast %add3A_154 : i32 to index
      %get3A_156 = tpu.vector_load %arg6[%get3A_155] {strides = array<i32>} : memref<18432xi32, #tpu.memory_space<vmem>>, vector<16xi32>,
      %get3A_157 = vector.shape_cast %get3A_156 : vector<16xi32> to vector<16xi32>
      %add3A_158 = arith.addi %mul3A_2, %add3A_154 : i32
      %add3A_159 = arith.addi %add3A_158, %mul3A_22 : i32
      %shift_right_arithmetic3A_160 = arith.constant 1 : i32
      %shift_right_arithmetic3A_161 = arith.shrsi %add3A_159, %shift_right_arithmetic3A_160 : i32
      %shift_right_arithmetic3A_162 = arith.constant 1 : i32
      %shift_right_arithmetic3A_163 = vector.broadcast %shift_right_arithmetic3A_162 : i32 to vector<16xi32>
      %shift_right_arithmetic3A_164 = arith.shrsi %iota3A, %shift_right_arithmetic3A_163 : vector<16xi32>
      %add3A_165 = vector.broadcast %shift_right_arithmetic3A_161 : i32 to vector<16xi32>
      %add3A_166 = arith.addi %add3A_165, %shift_right_arithmetic3A_164 : vector<16xi32>
      %mul3A_167 = arith.constant 73728 : i32
      %mul3A_168 = vector.broadcast %mul3A_167 : i32 to vector<16xi32>
      %mul3A_169 = arith.muli %get3A_157, %mul3A_168 : vector<16xi32>
      %add3A_170 = arith.addi %add3A_166, %mul3A_169 : vector<16xi32>
      %swap3A_171 = arith.index_cast %add3A_154 : i32 to index
      %swap3A_172 = tpu.vector_load %arg8[%swap3A_171] {strides = array<i32>} : memref<18432xi32, #tpu.memory_space<vmem>>, vector<16xi32>,
      %swap3A_173 = vector.shape_cast %swap3A_172 : vector<16xi32> to vector<16xi32>
      %swap3A_174 = vector.shape_cast %add3A_170 : vector<16xi32> to vector<16xi32>
      tpu.vector_store %arg8[%swap3A_171], %swap3A_174 {strides = array<i32>} : memref<18432xi32, #tpu.memory_space<vmem>>, vector<16xi32>,
      %mul3A_175 = arith.constant 128 : i32
      %mul3A_176 = arith.muli %scan3A_55, %mul3A_175 : i32
      %add3A_177 = arith.constant 80 : i32
      %add3A_178 = arith.addi %mul3A_176, %add3A_177 : i32
      %get3A_179 = arith.index_cast %add3A_178 : i32 to index
      %get3A_180 = tpu.vector_load %arg6[%get3A_179] {strides = array<i32>} : memref<18432xi32, #tpu.memory_space<vmem>>, vector<16xi32>,
      %get3A_181 = vector.shape_cast %get3A_180 : vector<16xi32> to vector<16xi32>
      %add3A_182 = arith.addi %mul3A_2, %add3A_178 : i32
      %add3A_183 = arith.addi %add3A_182, %mul3A_22 : i32
      %shift_right_arithmetic3A_184 = arith.constant 1 : i32
      %shift_right_arithmetic3A_185 = arith.shrsi %add3A_183, %shift_right_arithmetic3A_184 : i32
      %shift_right_arithmetic3A_186 = arith.constant 1 : i32
      %shift_right_arithmetic3A_187 = vector.broadcast %shift_right_arithmetic3A_186 : i32 to vector<16xi32>
      %shift_right_arithmetic3A_188 = arith.shrsi %iota3A, %shift_right_arithmetic3A_187 : vector<16xi32>
      %add3A_189 = vector.broadcast %shift_right_arithmetic3A_185 : i32 to vector<16xi32>
      %add3A_190 = arith.addi %add3A_189, %shift_right_arithmetic3A_188 : vector<16xi32>
      %mul3A_191 = arith.constant 73728 : i32
      %mul3A_192 = vector.broadcast %mul3A_191 : i32 to vector<16xi32>
      %mul3A_193 = arith.muli %get3A_181, %mul3A_192 : vector<16xi32>
      %add3A_194 = arith.addi %add3A_190, %mul3A_193 : vector<16xi32>
      %swap3A_195 = arith.index_cast %add3A_178 : i32 to index
      %swap3A_196 = tpu.vector_load %arg8[%swap3A_195] {strides = array<i32>} : memref<18432xi32, #tpu.memory_space<vmem>>, vector<16xi32>,
      %swap3A_197 = vector.shape_cast %swap3A_196 : vector<16xi32> to vector<16xi32>
      %swap3A_198 = vector.shape_cast %add3A_194 : vector<16xi32> to vector<16xi32>
      tpu.vector_store %arg8[%swap3A_195], %swap3A_198 {strides = array<i32>} : memref<18432xi32, #tpu.memory_space<vmem>>, vector<16xi32>,
      %mul3A_199 = arith.constant 128 : i32
      %mul3A_200 = arith.muli %scan3A_55, %mul3A_199 : i32
      %add3A_201 = arith.constant 96 : i32
      %add3A_202 = arith.addi %mul3A_200, %add3A_201 : i32
      %get3A_203 = arith.index_cast %add3A_202 : i32 to index
      %get3A_204 = tpu.vector_load %arg6[%get3A_203] {strides = array<i32>} : memref<18432xi32, #tpu.memory_space<vmem>>, vector<16xi32>,
      %get3A_205 = vector.shape_cast %get3A_204 : vector<16xi32> to vector<16xi32>
      %add3A_206 = arith.addi %mul3A_2, %add3A_202 : i32
      %add3A_207 = arith.addi %add3A_206, %mul3A_22 : i32
      %shift_right_arithmetic3A_208 = arith.constant 1 : i32
      %shift_right_arithmetic3A_209 = arith.shrsi %add3A_207, %shift_right_arithmetic3A_208 : i32
      %shift_right_arithmetic3A_210 = arith.constant 1 : i32
      %shift_right_arithmetic3A_211 = vector.broadcast %shift_right_arithmetic3A_210 : i32 to vector<16xi32>
      %shift_right_arithmetic3A_212 = arith.shrsi %iota3A, %shift_right_arithmetic3A_211 : vector<16xi32>
      %add3A_213 = vector.broadcast %shift_right_arithmetic3A_209 : i32 to vector<16xi32>
      %add3A_214 = arith.addi %add3A_213, %shift_right_arithmetic3A_212 : vector<16xi32>
      %mul3A_215 = arith.constant 73728 : i32
      %mul3A_216 = vector.broadcast %mul3A_215 : i32 to vector<16xi32>
      %mul3A_217 = arith.muli %get3A_205, %mul3A_216 : vector<16xi32>
      %add3A_218 = arith.addi %add3A_214, %mul3A_217 : vector<16xi32>
      %swap3A_219 = arith.index_cast %add3A_202 : i32 to index
      %swap3A_220 = tpu.vector_load %arg8[%swap3A_219] {strides = array<i32>} : memref<18432xi32, #tpu.memory_space<vmem>>, vector<16xi32>,
      %swap3A_221 = vector.shape_cast %swap3A_220 : vector<16xi32> to vector<16xi32>
      %swap3A_222 = vector.shape_cast %add3A_218 : vector<16xi32> to vector<16xi32>
      tpu.vector_store %arg8[%swap3A_219], %swap3A_222 {strides = array<i32>} : memref<18432xi32, #tpu.memory_space<vmem>>, vector<16xi32>,
      %mul3A_223 = arith.constant 128 : i32
      %mul3A_224 = arith.muli %scan3A_55, %mul3A_223 : i32
      %add3A_225 = arith.constant 112 : i32
      %add3A_226 = arith.addi %mul3A_224, %add3A_225 : i32
      %get3A_227 = arith.index_cast %add3A_226 : i32 to index
      %get3A_228 = tpu.vector_load %arg6[%get3A_227] {strides = array<i32>} : memref<18432xi32, #tpu.memory_space<vmem>>, vector<16xi32>,
      %get3A_229 = vector.shape_cast %get3A_228 : vector<16xi32> to vector<16xi32>
      %add3A_230 = arith.addi %mul3A_2, %add3A_226 : i32
      %add3A_231 = arith.addi %add3A_230, %mul3A_22 : i32
      %shift_right_arithmetic3A_232 = arith.constant 1 : i32
      %shift_right_arithmetic3A_233 = arith.shrsi %add3A_231, %shift_right_arithmetic3A_232 : i32
      %shift_right_arithmetic3A_234 = arith.constant 1 : i32
      %shift_right_arithmetic3A_235 = vector.broadcast %shift_right_arithmetic3A_234 : i32 to vector<16xi32>
      %shift_right_arithmetic3A_236 = arith.shrsi %iota3A, %shift_right_arithmetic3A_235 : vector<16xi32>
      %add3A_237 = vector.broadcast %shift_right_arithmetic3A_233 : i32 to vector<16xi32>
      %add3A_238 = arith.addi %add3A_237, %shift_right_arithmetic3A_236 : vector<16xi32>
      %mul3A_239 = arith.constant 73728 : i32
      %mul3A_240 = vector.broadcast %mul3A_239 : i32 to vector<16xi32>
      %mul3A_241 = arith.muli %get3A_229, %mul3A_240 : vector<16xi32>
      %add3A_242 = arith.addi %add3A_238, %mul3A_241 : vector<16xi32>
      %swap3A_243 = arith.index_cast %add3A_226 : i32 to index
      %swap3A_244 = tpu.vector_load %arg8[%swap3A_243] {strides = array<i32>} : memref<18432xi32, #tpu.memory_space<vmem>>, vector<16xi32>,
      %swap3A_245 = vector.shape_cast %swap3A_244 : vector<16xi32> to vector<16xi32>
      %swap3A_246 = vector.shape_cast %add3A_242 : vector<16xi32> to vector<16xi32>
      tpu.vector_store %arg8[%swap3A_243], %swap3A_246 {strides = array<i32>} : memref<18432xi32, #tpu.memory_space<vmem>>, vector<16xi32>,
      %scan3A_247 = arith.constant 0 : i32
      scf.yield %scan3A_247 : i32
    }
    %scan3A_34 = arith.constant 144 : i32
    %dma_start3A = arith.constant 0 : i32
    %dma_start3A_35 = tpu.memref_slice %arg2[%dma_start3A] : memref<56623104xi32, #tpu.memory_space<hbm>> -> memref<56623104xi32, #tpu.memory_space<hbm>>
    tpu.enqueue_indirect_dma source(%dma_start3A_35 : memref<56623104xi32, #tpu.memory_space<hbm>>) target(%arg9 : memref<18432xi32, #tpu.memory_space<vmem>>) offsets(%arg8 : memref<18432xi32, #tpu.memory_space<vmem>>) semaphore(%arg11 : memref<!tpu.dma_semaphore, #tpu.memory_space<semaphore_mem>>)
    %dma_wait3A = arith.constant 0 : i32
    %dma_wait3A_36 = tpu.memref_slice %arg2[%dma_wait3A] : memref<56623104xi32, #tpu.memory_space<hbm>> -> memref<56623104xi32, #tpu.memory_space<hbm>>
    tpu.wait_indirect_dma semaphore(%arg11 : memref<!tpu.dma_semaphore, #tpu.memory_space<semaphore_mem>>) src(%dma_wait3A_36 : memref<56623104xi32, #tpu.memory_space<hbm>>) dst(%arg9 : memref<18432xi32, #tpu.memory_space<vmem>>)
    %broadcast_in_dim3A = arith.constant 0.000000e+00 : f32
    %broadcast_in_dim3A_37 = vector.broadcast %broadcast_in_dim3A : f32 to vector<16xf32>
    %scan3A_38 = arith.constant 0 : i32
    %scan3A_39 = arith.constant 144 : i32
    %scan3A_40 = arith.addi %scan3A_38, %scan3A_39 : i32
    %scan3A_41 = arith.constant 1 : i32
    %scan3A_42:2 = scf.for %scan3A_55 = %scan3A_38 to %scan3A_40 step %scan3A_41 iter_args(%scan3A_56 = %broadcast_in_dim3A_37, %scan3A_57 = %broadcast_in_dim3A_37) -> (vector<16xf32>, vector<16xf32>)  : i32 {
      %mul3A_58 = arith.constant 128 : i32
      %mul3A_59 = arith.muli %scan3A_55, %mul3A_58 : i32
      %add3A_60 = arith.constant 0 : i32
      %add3A_61 = arith.addi %mul3A_59, %add3A_60 : i32
      %get3A = arith.index_cast %add3A_61 : i32 to index
      %get3A_62 = tpu.vector_load %arg9[%get3A] {strides = array<i32>} : memref<18432xi32, #tpu.memory_space<vmem>>, vector<16xi32>,
      %get3A_63 = vector.shape_cast %get3A_62 : vector<16xi32> to vector<16xi32>
      %and3A_64 = arith.constant -65536 : i32
      %and3A_65 = vector.broadcast %and3A_64 : i32 to vector<16xi32>
      %and3A_66 = arith.andi %get3A_63, %and3A_65 : vector<16xi32>
      %shift_left3A = arith.constant 16 : i32
      %shift_left3A_67 = vector.broadcast %shift_left3A : i32 to vector<16xi32>
      %shift_left3A_68 = arith.shli %get3A_63, %shift_left3A_67 : vector<16xi32>
      %select_n3A_69 = arith.select %ne3A_28, %and3A_66, %shift_left3A_68 : vector<16xi1>, vector<16xi32>
      %bitcast_convert_type3A = tpu.bitcast %select_n3A_69 : vector<16xi32> -> vector<16xf32>
      %get3A_70 = arith.index_cast %add3A_61 : i32 to index
      %get3A_71 = tpu.vector_load %arg7[%get3A_70] {strides = array<i32>} : memref<18432xf32, #tpu.memory_space<vmem>>, vector<16xf32>,
      %get3A_72 = vector.shape_cast %get3A_71 : vector<16xf32> to vector<16xf32>
      %ge3A = arith.constant 5.000000e-01 : f32
      %ge3A_73 = vector.broadcast %ge3A : f32 to vector<16xf32>
      %ge3A_74 = arith.cmpf oge, %get3A_72, %ge3A_73 : vector<16xf32>
      %jit3A_75 = arith.constant 0.000000e+00 : f32
      %broadcast_in_dim3A_76 = vector.broadcast %jit3A_75 : f32 to vector<16xf32>
      %select_n3A_77 = arith.select %ge3A_74, %bitcast_convert_type3A, %broadcast_in_dim3A_76 : vector<16xi1>, vector<16xf32>
      %add3A_78 = arith.addf %scan3A_56, %select_n3A_77 : vector<16xf32>
      %jit3A_79 = arith.constant 1.000000e+00 : f32
      %jit3A_80 = arith.constant 0.000000e+00 : f32
      %broadcast_in_dim3A_81 = vector.broadcast %jit3A_79 : f32 to vector<16xf32>
      %broadcast_in_dim3A_82 = vector.broadcast %jit3A_80 : f32 to vector<16xf32>
      %select_n3A_83 = arith.select %ge3A_74, %broadcast_in_dim3A_81, %broadcast_in_dim3A_82 : vector<16xi1>, vector<16xf32>
      %add3A_84 = arith.addf %scan3A_57, %select_n3A_83 : vector<16xf32>
      %mul3A_85 = arith.constant 128 : i32
      %mul3A_86 = arith.muli %scan3A_55, %mul3A_85 : i32
      %add3A_87 = arith.constant 16 : i32
      %add3A_88 = arith.addi %mul3A_86, %add3A_87 : i32
      %get3A_89 = arith.index_cast %add3A_88 : i32 to index
      %get3A_90 = tpu.vector_load %arg9[%get3A_89] {strides = array<i32>} : memref<18432xi32, #tpu.memory_space<vmem>>, vector<16xi32>,
      %get3A_91 = vector.shape_cast %get3A_90 : vector<16xi32> to vector<16xi32>
      %and3A_92 = arith.constant -65536 : i32
      %and3A_93 = vector.broadcast %and3A_92 : i32 to vector<16xi32>
      %and3A_94 = arith.andi %get3A_91, %and3A_93 : vector<16xi32>
      %shift_left3A_95 = arith.constant 16 : i32
      %shift_left3A_96 = vector.broadcast %shift_left3A_95 : i32 to vector<16xi32>
      %shift_left3A_97 = arith.shli %get3A_91, %shift_left3A_96 : vector<16xi32>
      %select_n3A_98 = arith.select %ne3A_28, %and3A_94, %shift_left3A_97 : vector<16xi1>, vector<16xi32>
      %bitcast_convert_type3A_99 = tpu.bitcast %select_n3A_98 : vector<16xi32> -> vector<16xf32>
      %get3A_100 = arith.index_cast %add3A_88 : i32 to index
      %get3A_101 = tpu.vector_load %arg7[%get3A_100] {strides = array<i32>} : memref<18432xf32, #tpu.memory_space<vmem>>, vector<16xf32>,
      %get3A_102 = vector.shape_cast %get3A_101 : vector<16xf32> to vector<16xf32>
      %ge3A_103 = arith.constant 5.000000e-01 : f32
      %ge3A_104 = vector.broadcast %ge3A_103 : f32 to vector<16xf32>
      %ge3A_105 = arith.cmpf oge, %get3A_102, %ge3A_104 : vector<16xf32>
      %jit3A_106 = arith.constant 0.000000e+00 : f32
      %broadcast_in_dim3A_107 = vector.broadcast %jit3A_106 : f32 to vector<16xf32>
      %select_n3A_108 = arith.select %ge3A_105, %bitcast_convert_type3A_99, %broadcast_in_dim3A_107 : vector<16xi1>, vector<16xf32>
      %add3A_109 = arith.addf %add3A_78, %select_n3A_108 : vector<16xf32>
      %jit3A_110 = arith.constant 1.000000e+00 : f32
      %jit3A_111 = arith.constant 0.000000e+00 : f32
      %broadcast_in_dim3A_112 = vector.broadcast %jit3A_110 : f32 to vector<16xf32>
      %broadcast_in_dim3A_113 = vector.broadcast %jit3A_111 : f32 to vector<16xf32>
      %select_n3A_114 = arith.select %ge3A_105, %broadcast_in_dim3A_112, %broadcast_in_dim3A_113 : vector<16xi1>, vector<16xf32>
      %add3A_115 = arith.addf %add3A_84, %select_n3A_114 : vector<16xf32>
      %mul3A_116 = arith.constant 128 : i32
      %mul3A_117 = arith.muli %scan3A_55, %mul3A_116 : i32
      %add3A_118 = arith.constant 32 : i32
      %add3A_119 = arith.addi %mul3A_117, %add3A_118 : i32
      %get3A_120 = arith.index_cast %add3A_119 : i32 to index
      %get3A_121 = tpu.vector_load %arg9[%get3A_120] {strides = array<i32>} : memref<18432xi32, #tpu.memory_space<vmem>>, vector<16xi32>,
      %get3A_122 = vector.shape_cast %get3A_121 : vector<16xi32> to vector<16xi32>
      %and3A_123 = arith.constant -65536 : i32
      %and3A_124 = vector.broadcast %and3A_123 : i32 to vector<16xi32>
      %and3A_125 = arith.andi %get3A_122, %and3A_124 : vector<16xi32>
      %shift_left3A_126 = arith.constant 16 : i32
      %shift_left3A_127 = vector.broadcast %shift_left3A_126 : i32 to vector<16xi32>
      %shift_left3A_128 = arith.shli %get3A_122, %shift_left3A_127 : vector<16xi32>
      %select_n3A_129 = arith.select %ne3A_28, %and3A_125, %shift_left3A_128 : vector<16xi1>, vector<16xi32>
      %bitcast_convert_type3A_130 = tpu.bitcast %select_n3A_129 : vector<16xi32> -> vector<16xf32>
      %get3A_131 = arith.index_cast %add3A_119 : i32 to index
      %get3A_132 = tpu.vector_load %arg7[%get3A_131] {strides = array<i32>} : memref<18432xf32, #tpu.memory_space<vmem>>, vector<16xf32>,
      %get3A_133 = vector.shape_cast %get3A_132 : vector<16xf32> to vector<16xf32>
      %ge3A_134 = arith.constant 5.000000e-01 : f32
      %ge3A_135 = vector.broadcast %ge3A_134 : f32 to vector<16xf32>
      %ge3A_136 = arith.cmpf oge, %get3A_133, %ge3A_135 : vector<16xf32>
      %jit3A_137 = arith.constant 0.000000e+00 : f32
      %broadcast_in_dim3A_138 = vector.broadcast %jit3A_137 : f32 to vector<16xf32>
      %select_n3A_139 = arith.select %ge3A_136, %bitcast_convert_type3A_130, %broadcast_in_dim3A_138 : vector<16xi1>, vector<16xf32>
      %add3A_140 = arith.addf %add3A_109, %select_n3A_139 : vector<16xf32>
      %jit3A_141 = arith.constant 1.000000e+00 : f32
      %jit3A_142 = arith.constant 0.000000e+00 : f32
      %broadcast_in_dim3A_143 = vector.broadcast %jit3A_141 : f32 to vector<16xf32>
      %broadcast_in_dim3A_144 = vector.broadcast %jit3A_142 : f32 to vector<16xf32>
      %select_n3A_145 = arith.select %ge3A_136, %broadcast_in_dim3A_143, %broadcast_in_dim3A_144 : vector<16xi1>, vector<16xf32>
      %add3A_146 = arith.addf %add3A_115, %select_n3A_145 : vector<16xf32>
      %mul3A_147 = arith.constant 128 : i32
      %mul3A_148 = arith.muli %scan3A_55, %mul3A_147 : i32
      %add3A_149 = arith.constant 48 : i32
      %add3A_150 = arith.addi %mul3A_148, %add3A_149 : i32
      %get3A_151 = arith.index_cast %add3A_150 : i32 to index
      %get3A_152 = tpu.vector_load %arg9[%get3A_151] {strides = array<i32>} : memref<18432xi32, #tpu.memory_space<vmem>>, vector<16xi32>,
      %get3A_153 = vector.shape_cast %get3A_152 : vector<16xi32> to vector<16xi32>
      %and3A_154 = arith.constant -65536 : i32
      %and3A_155 = vector.broadcast %and3A_154 : i32 to vector<16xi32>
      %and3A_156 = arith.andi %get3A_153, %and3A_155 : vector<16xi32>
      %shift_left3A_157 = arith.constant 16 : i32
      %shift_left3A_158 = vector.broadcast %shift_left3A_157 : i32 to vector<16xi32>
      %shift_left3A_159 = arith.shli %get3A_153, %shift_left3A_158 : vector<16xi32>
      %select_n3A_160 = arith.select %ne3A_28, %and3A_156, %shift_left3A_159 : vector<16xi1>, vector<16xi32>
      %bitcast_convert_type3A_161 = tpu.bitcast %select_n3A_160 : vector<16xi32> -> vector<16xf32>
      %get3A_162 = arith.index_cast %add3A_150 : i32 to index
      %get3A_163 = tpu.vector_load %arg7[%get3A_162] {strides = array<i32>} : memref<18432xf32, #tpu.memory_space<vmem>>, vector<16xf32>,
      %get3A_164 = vector.shape_cast %get3A_163 : vector<16xf32> to vector<16xf32>
      %ge3A_165 = arith.constant 5.000000e-01 : f32
      %ge3A_166 = vector.broadcast %ge3A_165 : f32 to vector<16xf32>
      %ge3A_167 = arith.cmpf oge, %get3A_164, %ge3A_166 : vector<16xf32>
      %jit3A_168 = arith.constant 0.000000e+00 : f32
      %broadcast_in_dim3A_169 = vector.broadcast %jit3A_168 : f32 to vector<16xf32>
      %select_n3A_170 = arith.select %ge3A_167, %bitcast_convert_type3A_161, %broadcast_in_dim3A_169 : vector<16xi1>, vector<16xf32>
      %add3A_171 = arith.addf %add3A_140, %select_n3A_170 : vector<16xf32>
      %jit3A_172 = arith.constant 1.000000e+00 : f32
      %jit3A_173 = arith.constant 0.000000e+00 : f32
      %broadcast_in_dim3A_174 = vector.broadcast %jit3A_172 : f32 to vector<16xf32>
      %broadcast_in_dim3A_175 = vector.broadcast %jit3A_173 : f32 to vector<16xf32>
      %select_n3A_176 = arith.select %ge3A_167, %broadcast_in_dim3A_174, %broadcast_in_dim3A_175 : vector<16xi1>, vector<16xf32>
      %add3A_177 = arith.addf %add3A_146, %select_n3A_176 : vector<16xf32>
      %mul3A_178 = arith.constant 128 : i32
      %mul3A_179 = arith.muli %scan3A_55, %mul3A_178 : i32
      %add3A_180 = arith.constant 64 : i32
      %add3A_181 = arith.addi %mul3A_179, %add3A_180 : i32
      %get3A_182 = arith.index_cast %add3A_181 : i32 to index
      %get3A_183 = tpu.vector_load %arg9[%get3A_182] {strides = array<i32>} : memref<18432xi32, #tpu.memory_space<vmem>>, vector<16xi32>,
      %get3A_184 = vector.shape_cast %get3A_183 : vector<16xi32> to vector<16xi32>
      %and3A_185 = arith.constant -65536 : i32
      %and3A_186 = vector.broadcast %and3A_185 : i32 to vector<16xi32>
      %and3A_187 = arith.andi %get3A_184, %and3A_186 : vector<16xi32>
      %shift_left3A_188 = arith.constant 16 : i32
      %shift_left3A_189 = vector.broadcast %shift_left3A_188 : i32 to vector<16xi32>
      %shift_left3A_190 = arith.shli %get3A_184, %shift_left3A_189 : vector<16xi32>
      %select_n3A_191 = arith.select %ne3A_28, %and3A_187, %shift_left3A_190 : vector<16xi1>, vector<16xi32>
      %bitcast_convert_type3A_192 = tpu.bitcast %select_n3A_191 : vector<16xi32> -> vector<16xf32>
      %get3A_193 = arith.index_cast %add3A_181 : i32 to index
      %get3A_194 = tpu.vector_load %arg7[%get3A_193] {strides = array<i32>} : memref<18432xf32, #tpu.memory_space<vmem>>, vector<16xf32>,
      %get3A_195 = vector.shape_cast %get3A_194 : vector<16xf32> to vector<16xf32>
      %ge3A_196 = arith.constant 5.000000e-01 : f32
      %ge3A_197 = vector.broadcast %ge3A_196 : f32 to vector<16xf32>
      %ge3A_198 = arith.cmpf oge, %get3A_195, %ge3A_197 : vector<16xf32>
      %jit3A_199 = arith.constant 0.000000e+00 : f32
      %broadcast_in_dim3A_200 = vector.broadcast %jit3A_199 : f32 to vector<16xf32>
      %select_n3A_201 = arith.select %ge3A_198, %bitcast_convert_type3A_192, %broadcast_in_dim3A_200 : vector<16xi1>, vector<16xf32>
      %add3A_202 = arith.addf %add3A_171, %select_n3A_201 : vector<16xf32>
      %jit3A_203 = arith.constant 1.000000e+00 : f32
      %jit3A_204 = arith.constant 0.000000e+00 : f32
      %broadcast_in_dim3A_205 = vector.broadcast %jit3A_203 : f32 to vector<16xf32>
      %broadcast_in_dim3A_206 = vector.broadcast %jit3A_204 : f32 to vector<16xf32>
      %select_n3A_207 = arith.select %ge3A_198, %broadcast_in_dim3A_205, %broadcast_in_dim3A_206 : vector<16xi1>, vector<16xf32>
      %add3A_208 = arith.addf %add3A_177, %select_n3A_207 : vector<16xf32>
      %mul3A_209 = arith.constant 128 : i32
      %mul3A_210 = arith.muli %scan3A_55, %mul3A_209 : i32
      %add3A_211 = arith.constant 80 : i32
      %add3A_212 = arith.addi %mul3A_210, %add3A_211 : i32
      %get3A_213 = arith.index_cast %add3A_212 : i32 to index
      %get3A_214 = tpu.vector_load %arg9[%get3A_213] {strides = array<i32>} : memref<18432xi32, #tpu.memory_space<vmem>>, vector<16xi32>,
      %get3A_215 = vector.shape_cast %get3A_214 : vector<16xi32> to vector<16xi32>
      %and3A_216 = arith.constant -65536 : i32
      %and3A_217 = vector.broadcast %and3A_216 : i32 to vector<16xi32>
      %and3A_218 = arith.andi %get3A_215, %and3A_217 : vector<16xi32>
      %shift_left3A_219 = arith.constant 16 : i32
      %shift_left3A_220 = vector.broadcast %shift_left3A_219 : i32 to vector<16xi32>
      %shift_left3A_221 = arith.shli %get3A_215, %shift_left3A_220 : vector<16xi32>
      %select_n3A_222 = arith.select %ne3A_28, %and3A_218, %shift_left3A_221 : vector<16xi1>, vector<16xi32>
      %bitcast_convert_type3A_223 = tpu.bitcast %select_n3A_222 : vector<16xi32> -> vector<16xf32>
      %get3A_224 = arith.index_cast %add3A_212 : i32 to index
      %get3A_225 = tpu.vector_load %arg7[%get3A_224] {strides = array<i32>} : memref<18432xf32, #tpu.memory_space<vmem>>, vector<16xf32>,
      %get3A_226 = vector.shape_cast %get3A_225 : vector<16xf32> to vector<16xf32>
      %ge3A_227 = arith.constant 5.000000e-01 : f32
      %ge3A_228 = vector.broadcast %ge3A_227 : f32 to vector<16xf32>
      %ge3A_229 = arith.cmpf oge, %get3A_226, %ge3A_228 : vector<16xf32>
      %jit3A_230 = arith.constant 0.000000e+00 : f32
      %broadcast_in_dim3A_231 = vector.broadcast %jit3A_230 : f32 to vector<16xf32>
      %select_n3A_232 = arith.select %ge3A_229, %bitcast_convert_type3A_223, %broadcast_in_dim3A_231 : vector<16xi1>, vector<16xf32>
      %add3A_233 = arith.addf %add3A_202, %select_n3A_232 : vector<16xf32>
      %jit3A_234 = arith.constant 1.000000e+00 : f32
      %jit3A_235 = arith.constant 0.000000e+00 : f32
      %broadcast_in_dim3A_236 = vector.broadcast %jit3A_234 : f32 to vector<16xf32>
      %broadcast_in_dim3A_237 = vector.broadcast %jit3A_235 : f32 to vector<16xf32>
      %select_n3A_238 = arith.select %ge3A_229, %broadcast_in_dim3A_236, %broadcast_in_dim3A_237 : vector<16xi1>, vector<16xf32>
      %add3A_239 = arith.addf %add3A_208, %select_n3A_238 : vector<16xf32>
      %mul3A_240 = arith.constant 128 : i32
      %mul3A_241 = arith.muli %scan3A_55, %mul3A_240 : i32
      %add3A_242 = arith.constant 96 : i32
      %add3A_243 = arith.addi %mul3A_241, %add3A_242 : i32
      %get3A_244 = arith.index_cast %add3A_243 : i32 to index
      %get3A_245 = tpu.vector_load %arg9[%get3A_244] {strides = array<i32>} : memref<18432xi32, #tpu.memory_space<vmem>>, vector<16xi32>,
      %get3A_246 = vector.shape_cast %get3A_245 : vector<16xi32> to vector<16xi32>
      %and3A_247 = arith.constant -65536 : i32
      %and3A_248 = vector.broadcast %and3A_247 : i32 to vector<16xi32>
      %and3A_249 = arith.andi %get3A_246, %and3A_248 : vector<16xi32>
      %shift_left3A_250 = arith.constant 16 : i32
      %shift_left3A_251 = vector.broadcast %shift_left3A_250 : i32 to vector<16xi32>
      %shift_left3A_252 = arith.shli %get3A_246, %shift_left3A_251 : vector<16xi32>
      %select_n3A_253 = arith.select %ne3A_28, %and3A_249, %shift_left3A_252 : vector<16xi1>, vector<16xi32>
      %bitcast_convert_type3A_254 = tpu.bitcast %select_n3A_253 : vector<16xi32> -> vector<16xf32>
      %get3A_255 = arith.index_cast %add3A_243 : i32 to index
      %get3A_256 = tpu.vector_load %arg7[%get3A_255] {strides = array<i32>} : memref<18432xf32, #tpu.memory_space<vmem>>, vector<16xf32>,
      %get3A_257 = vector.shape_cast %get3A_256 : vector<16xf32> to vector<16xf32>
      %ge3A_258 = arith.constant 5.000000e-01 : f32
      %ge3A_259 = vector.broadcast %ge3A_258 : f32 to vector<16xf32>
      %ge3A_260 = arith.cmpf oge, %get3A_257, %ge3A_259 : vector<16xf32>
      %jit3A_261 = arith.constant 0.000000e+00 : f32
      %broadcast_in_dim3A_262 = vector.broadcast %jit3A_261 : f32 to vector<16xf32>
      %select_n3A_263 = arith.select %ge3A_260, %bitcast_convert_type3A_254, %broadcast_in_dim3A_262 : vector<16xi1>, vector<16xf32>
      %add3A_264 = arith.addf %add3A_233, %select_n3A_263 : vector<16xf32>
      %jit3A_265 = arith.constant 1.000000e+00 : f32
      %jit3A_266 = arith.constant 0.000000e+00 : f32
      %broadcast_in_dim3A_267 = vector.broadcast %jit3A_265 : f32 to vector<16xf32>
      %broadcast_in_dim3A_268 = vector.broadcast %jit3A_266 : f32 to vector<16xf32>
      %select_n3A_269 = arith.select %ge3A_260, %broadcast_in_dim3A_267, %broadcast_in_dim3A_268 : vector<16xi1>, vector<16xf32>
      %add3A_270 = arith.addf %add3A_239, %select_n3A_269 : vector<16xf32>
      %mul3A_271 = arith.constant 128 : i32
      %mul3A_272 = arith.muli %scan3A_55, %mul3A_271 : i32
      %add3A_273 = arith.constant 112 : i32
      %add3A_274 = arith.addi %mul3A_272, %add3A_273 : i32
      %get3A_275 = arith.index_cast %add3A_274 : i32 to index
      %get3A_276 = tpu.vector_load %arg9[%get3A_275] {strides = array<i32>} : memref<18432xi32, #tpu.memory_space<vmem>>, vector<16xi32>,
      %get3A_277 = vector.shape_cast %get3A_276 : vector<16xi32> to vector<16xi32>
      %and3A_278 = arith.constant -65536 : i32
      %and3A_279 = vector.broadcast %and3A_278 : i32 to vector<16xi32>
      %and3A_280 = arith.andi %get3A_277, %and3A_279 : vector<16xi32>
      %shift_left3A_281 = arith.constant 16 : i32
      %shift_left3A_282 = vector.broadcast %shift_left3A_281 : i32 to vector<16xi32>
      %shift_left3A_283 = arith.shli %get3A_277, %shift_left3A_282 : vector<16xi32>
      %select_n3A_284 = arith.select %ne3A_28, %and3A_280, %shift_left3A_283 : vector<16xi1>, vector<16xi32>
      %bitcast_convert_type3A_285 = tpu.bitcast %select_n3A_284 : vector<16xi32> -> vector<16xf32>
      %get3A_286 = arith.index_cast %add3A_274 : i32 to index
      %get3A_287 = tpu.vector_load %arg7[%get3A_286] {strides = array<i32>} : memref<18432xf32, #tpu.memory_space<vmem>>, vector<16xf32>,
      %get3A_288 = vector.shape_cast %get3A_287 : vector<16xf32> to vector<16xf32>
      %ge3A_289 = arith.constant 5.000000e-01 : f32
      %ge3A_290 = vector.broadcast %ge3A_289 : f32 to vector<16xf32>
      %ge3A_291 = arith.cmpf oge, %get3A_288, %ge3A_290 : vector<16xf32>
      %jit3A_292 = arith.constant 0.000000e+00 : f32
      %broadcast_in_dim3A_293 = vector.broadcast %jit3A_292 : f32 to vector<16xf32>
      %select_n3A_294 = arith.select %ge3A_291, %bitcast_convert_type3A_285, %broadcast_in_dim3A_293 : vector<16xi1>, vector<16xf32>
      %add3A_295 = arith.addf %add3A_264, %select_n3A_294 : vector<16xf32>
      %jit3A_296 = arith.constant 1.000000e+00 : f32
      %jit3A_297 = arith.constant 0.000000e+00 : f32
      %broadcast_in_dim3A_298 = vector.broadcast %jit3A_296 : f32 to vector<16xf32>
      %broadcast_in_dim3A_299 = vector.broadcast %jit3A_297 : f32 to vector<16xf32>
      %select_n3A_300 = arith.select %ge3A_291, %broadcast_in_dim3A_298, %broadcast_in_dim3A_299 : vector<16xi1>, vector<16xf32>
      %add3A_301 = arith.addf %add3A_270, %select_n3A_300 : vector<16xf32>
      scf.yield %add3A_295, %add3A_301 : vector<16xf32>, vector<16xf32>
    }
    %scan3A_43 = arith.constant 144 : i32
    %swap3A = arith.constant 0 : i32
    %swap3A_44 = arith.index_cast %swap3A : i32 to index
    %swap3A_45 = arith.constant 0 : index
    %swap3A_46 = tpu.vector_load %arg10[%swap3A_44, %swap3A_45] {strides = array<i32>} : memref<2x16xf32, #tpu.memory_space<vmem>>, vector<1x16xf32>,
    %swap3A_47 = vector.shape_cast %swap3A_46 : vector<1x16xf32> to vector<16xf32>
    %swap3A_48 = vector.shape_cast %scan3A_42#0 : vector<16xf32> to vector<1x16xf32>
    tpu.vector_store %arg10[%swap3A_44, %swap3A_45], %swap3A_48 {strides = array<i32>} : memref<2x16xf32, #tpu.memory_space<vmem>>, vector<1x16xf32>,
    %swap3A_49 = arith.constant 1 : i32
    %swap3A_50 = arith.index_cast %swap3A_49 : i32 to index
    %swap3A_51 = arith.constant 0 : index
    %swap3A_52 = tpu.vector_load %arg10[%swap3A_50, %swap3A_51] {strides = array<i32>} : memref<2x16xf32, #tpu.memory_space<vmem>>, vector<1x16xf32>,
    %swap3A_53 = vector.shape_cast %swap3A_52 : vector<1x16xf32> to vector<16xf32>
    %swap3A_54 = vector.shape_cast %scan3A_42#1 : vector<16xf32> to vector<1x16xf32>
    tpu.vector_store %arg10[%swap3A_50, %swap3A_51], %swap3A_54 {strides = array<i32>} : memref<2x16xf32, #tpu.memory_space<vmem>>, vector<1x16xf32>,
    "tpu.region"() ({
      %run_scoped3A = tpu.sem_alloc : memref<!tpu.dma_semaphore, #tpu.memory_space<semaphore_mem>>
      %dma_start3A_55 = arith.constant 0 : i32
      %dma_start3A_56 = arith.constant 0 : i32
      %dma_start3A_57 = tpu.memref_slice %arg5[%add3A, %dma_start3A_55, %dma_start3A_56] : memref<32x2x16xf32, #tpu.memory_space<hbm>> -> memref<1x2x16xf32, #tpu.memory_space<hbm>>
      %dma_start3A_58 = tpu.memref_squeeze %dma_start3A_57 : memref<1x2x16xf32, #tpu.memory_space<hbm>> -> memref<2x16xf32, #tpu.memory_space<hbm>>
      %dma_start3A_59 = arith.constant 0 : i32
      %dma_start3A_60 = arith.constant 0 : i32
      %dma_start3A_61 = tpu.memref_slice %arg5[%add3A, %dma_start3A_59, %dma_start3A_60] : memref<32x2x16xf32, #tpu.memory_space<hbm>> -> memref<1x2x16xf32, #tpu.memory_space<hbm>>
      %dma_start3A_62 = tpu.memref_squeeze %dma_start3A_61 : memref<1x2x16xf32, #tpu.memory_space<hbm>> -> memref<2x16xf32, #tpu.memory_space<hbm>>
      tpu.enqueue_dma source(%arg10 : memref<2x16xf32, #tpu.memory_space<vmem>>) target(%dma_start3A_62 : memref<2x16xf32, #tpu.memory_space<hbm>>) target_semaphore(%run_scoped3A : memref<!tpu.dma_semaphore, #tpu.memory_space<semaphore_mem>>)
      %dma_wait3A_63 = arith.constant 0 : i32
      %dma_wait3A_64 = arith.constant 0 : i32
      %dma_wait3A_65 = tpu.memref_slice %arg5[%add3A, %dma_wait3A_63, %dma_wait3A_64] : memref<32x2x16xf32, #tpu.memory_space<hbm>> -> memref<1x2x16xf32, #tpu.memory_space<hbm>>
      %dma_wait3A_66 = tpu.memref_squeeze %dma_wait3A_65 : memref<1x2x16xf32, #tpu.memory_space<hbm>> -> memref<2x16xf32, #tpu.memory_space<hbm>>
      %dma_wait3A_67 = arith.constant 0 : i32
      %dma_wait3A_68 = arith.constant 0 : i32
      %dma_wait3A_69 = tpu.memref_slice %arg5[%add3A, %dma_wait3A_67, %dma_wait3A_68] : memref<32x2x16xf32, #tpu.memory_space<hbm>> -> memref<1x2x16xf32, #tpu.memory_space<hbm>>
      %dma_wait3A_70 = tpu.memref_squeeze %dma_wait3A_69 : memref<1x2x16xf32, #tpu.memory_space<hbm>> -> memref<2x16xf32, #tpu.memory_space<hbm>>
      tpu.wait_dma2 semaphore(%run_scoped3A : memref<!tpu.dma_semaphore, #tpu.memory_space<semaphore_mem>>) src(%arg10 : memref<2x16xf32, #tpu.memory_space<vmem>>) dst(%dma_wait3A_70 : memref<2x16xf32, #tpu.memory_space<hbm>>)
      tpu.yield
    }) : () -> ()
    return
  }
}

</mosaic_0001>

<sc_bundles>
// kernel: kernel.3.cloned.1.call-start
scs
__scs_entry_jumppad:
0x0: {  	(pc) =	sbr.rel $0x88, $3  }
0x1: {  	(tag) =	ssettag $0x0;
	lr =	simm.s32 $0x1  }
0x2: {  	[smem:$0x3F9E] =	sst lr;
	_ =	strace $0xD0000000  }
0x3: {  	_ = 	snop  }
0x4: {  	_ = 	snop  }
0x5: {  	_ = 	snop  }
0x6: {  	_ = 	snop  }
0x7: {  	_ = 	snop  }
__scs_overlays_trampoline_lowered:
0x8: {  	[smem:$0x3FAD] =	sst s0  }
0x9: {  	[smem:$0x3FAE] =	sst s1  }
0xa: {  	[smem:$0x3FAF] =	sst s2  }
0xb: {  	[smem:$0x3FB0] =	sst s3  }
0xc: {  	[smem:$0x3FB1] =	sst s4  }
0xd: {  	[smem:$0x3FB2] =	sst s5  }
0xe: {  	[smem:$0x3FB3] =	sst s6  }
0xf: {  	[smem:$0x3FB4] =	sst s7  }
0x10: {  	[smem:$0x3FB5] =	sst s8  }
0x11: {  	[smem:$0x3FB6] =	sst s9;
	s0 =	simm.s32 @!p0 $0x0  }
0x12: {  	s1 =	sld [smem:$0x3F9C];
	s0 =	simm.s32 @p0 $0x1  }
0x13: {  	[smem:$0x3FB7] =	sst s0;
	s0 =	simm.s32 @!p1 $0x0  }
0x14: {  	s2 =	sld [smem:$0x3F9B];
	s0 =	simm.s32 @p1 $0x1  }
0x15: {  	[smem:$0x3FB8] =	sst s0;
	s0 =	simm.s32 @!p2 $0x0  }
0x16: {  	s3 =	sld [smem:$0x3FDB];
	s0 =	simm.s32 @p2 $0x1  }
0x17: {  	s4 =	simm.s32 $0x1BF5;
	[smem:$0x3FBA] =	sst s0  }
0x18: {  	s0 =	sld [smem:$0x3F9D];
	_ =	swait.ge [sflag:s4], $0x0  }
0x19: {  	s7 =	sld [smem:$0x3F9E]  }
0x1a: {  	s8 =	sadd.s32 $0xFFFFE003, lr  }
0x1b: {  	s9 =	sadd.s32 $0xFFFFFEF7, lr;
	s5 =	simm.s32 $0xFFFFFFFF;
	p2 =	slt.u32 s8, $0xFFFFF086  }
0x1c: {  	p1 =	slt.u32 s9, $0xF7A;
	s5 =	simm.s32 @!p2 $0x0  }
0x1d: {  	s5 =	simm.s32 @p1 $0x1;
	p0 =	seq.s32 s7, s2  }
0x1e: {  	s7 =	smul.u32 @!p0 $0xF7A, s2;
	p2 =	seq.s32 @!p0 s5, $0x0  }
0x1f: {  	s9 =	smul.u32 $0xF7A, s1;
	s8 =	simm.s32 @!p0 $0x1BF5;
	p2 =	por !p2, p0  }
0x20: {  	[sflag:s8] =	ssyncset.s32 @!p0 $0xFFFFF086;
	s6 =	sadd.s32 @!p0 s3, s7;
	s7 =	simm.s32 @!p0 $0x108  }
0x21: {  	s3 =	sadd.s32 s3, s9;
	s6 =	sadd.s32 @!p0 $0x88, s6;
	s7 =	simm.s32 @p2 $0x1082  }
0x22: {  	[simem:s7], [sflag:s8] =	dma.local @!p0 [hbm:s6], $0xF7A  }
0x23: {  	s9 =	sor.u32 $0xD0000000, s2;
	s6 =	simm.s32 $0x108;
	_ =	swait.ge @!p0 [sflag:s8], $0x0  }
0x24: {  	s3 =	sadd.s32 $0x88, s3;
	s6 =	simm.s32 @!p1 $0x1082;
	[sflag:s4] =	ssyncset.s32 $0xFFFFF086  }
0x25: {  	[simem:s6], [sflag:s4] =	dma.local [hbm:s3], $0xF7A  }
0x26: {  	[smem:$0x3F9E] =	sst s1;
	(tag) =	ssettag s2;
	_ =	strace s9  }
0x27: {  	s1 =	sld [smem:$0x3FAE]  }
0x28: {  	s2 =	sld [smem:$0x3FAF]  }
0x29: {  	s4 =	sld [smem:$0x3FB1]  }
0x2a: {  	p0 =	seq.s32 s5, $0x0;
	s5 =	sld [smem:$0x3FB2]  }
0x2b: {  	s6 =	sld [smem:$0x3FB3]  }
0x2c: {  	s7 =	sld [smem:$0x3FB4]  }
0x2d: {  	s3 =	simm.s32 $0x108;
	s8 =	sld [smem:$0x3FB5]  }
0x2e: {  	s3 =	simm.s32 @!p0 $0x1082;
	s9 =	sld [smem:$0x3FB6]  }
0x2f: {  	lr =	sadd.s32 s0, s3;
	s0 =	sld [smem:$0x3FAD]  }
0x30: {  	s3 =	sld [smem:$0x3FB0]  }
0x31: {  	[smem:$0x3FB9] =	sst s10  }
0x32: {  	s10 =	sld [smem:$0x3FB7];
	_ =	sdelay $0x3  }
0x33: {  	p0 =	seq.s32 s10, $0x1;
	s10 =	sld [smem:$0x3FB9];
	_ =	sdelay $0x3  }
0x34: {  	[smem:$0x3FB9] =	sst s10  }
0x35: {  	s10 =	sld [smem:$0x3FB8];
	_ =	sdelay $0x3  }
0x36: {  	p1 =	seq.s32 s10, $0x1;
	s10 =	sld [smem:$0x3FB9];
	_ =	sdelay $0x3  }
0x37: {  	[smem:$0x3FB9] =	sst s10  }
0x38: {  	s10 =	sld [smem:$0x3FBA]  }
0x39: {  	_ = 	snop;
	(pc) =	sbr.ind lr, $3  }
0x3a: {  	_ = 	snop  }
0x3b: {  	_ = 	snop  }
0x3c: {  	p2 =	seq.s32 s10, $0x1;
	s10 =	sld [smem:$0x3FB9]  }
0x3d: {  	_ =	shalt  }
0x3e: {  	_ =	shalt  }
0x3f: {  	_ =	shalt  }
0x40: {  	_ =	shalt  }
0x41: {  	_ =	shalt  }
0x42: {  	_ =	shalt  }
0x43: {  	_ =	shalt  }
0x44: {  	_ =	shalt  }
0x45: {  	_ =	shalt  }
0x46: {  	_ =	shalt  }
0x47: {  	_ =	shalt  }
0x48: {  	_ =	shalt  }
0x49: {  	_ =	shalt  }
0x4a: {  	_ =	shalt  }
0x4b: {  	_ =	shalt  }
0x4c: {  	_ =	shalt  }
0x4d: {  	_ =	shalt  }
0x4e: {  	_ =	shalt  }
0x4f: {  	_ =	shalt  }
0x50: {  	_ =	shalt  }
0x51: {  	_ =	shalt  }
0x52: {  	_ =	shalt  }
0x53: {  	_ =	shalt  }
0x54: {  	_ =	shalt  }
0x55: {  	_ =	shalt  }
0x56: {  	_ =	shalt  }
0x57: {  	_ =	shalt  }
0x58: {  	_ =	shalt  }
0x59: {  	_ =	shalt  }
0x5a: {  	_ =	shalt  }
0x5b: {  	_ =	shalt  }
0x5c: {  	_ =	shalt  }
0x5d: {  	_ =	shalt  }
0x5e: {  	_ =	shalt  }
0x5f: {  	_ =	shalt  }
0x60: {  	_ =	shalt  }
0x61: {  	_ =	shalt  }
0x62: {  	_ =	shalt  }
0x63: {  	_ =	shalt  }
0x64: {  	_ =	shalt  }
0x65: {  	_ =	shalt  }
0x66: {  	_ =	shalt  }
0x67: {  	_ =	shalt  }
0x68: {  	_ =	shalt  }
0x69: {  	_ =	shalt  }
0x6a: {  	_ =	shalt  }
0x6b: {  	_ =	shalt  }
0x6c: {  	_ =	shalt  }
0x6d: {  	_ =	shalt  }
0x6e: {  	_ =	shalt  }
0x6f: {  	_ =	shalt  }
0x70: {  	_ =	shalt  }
0x71: {  	_ =	shalt  }
0x72: {  	_ =	shalt  }
0x73: {  	_ =	shalt  }
0x74: {  	_ =	shalt  }
0x75: {  	_ =	shalt  }
0x76: {  	_ =	shalt  }
0x77: {  	_ =	shalt  }
0x78: {  	_ =	shalt  }
0x79: {  	_ =	shalt  }
0x7a: {  	_ =	shalt  }
0x7b: {  	_ =	shalt  }
0x7c: {  	_ =	shalt  }
0x7d: {  	_ =	shalt  }
0x7e: {  	_ =	shalt  }
0x7f: {  	_ =	shalt  }
0x80: {  	_ =	shalt  }
0x81: {  	_ =	shalt  }
0x82: {  	_ =	shalt  }
0x83: {  	_ =	shalt  }
0x84: {  	_ =	shalt  }
0x85: {  	_ =	shalt  }
0x86: {  	_ =	shalt  }
0x87: {  	_ =	shalt  }
.Lfunc_end0:
.L_simem_size_0:
called_computation_lowered:
.L_overlay_start_0:
0x88: {  	s2 =	sld [smem:$0x3FD9]  }
0x89: {  	s3 =	sld [smem:$0x3FFE];
	_ =	sdelay $0x1  }
0x8a: {  	s1 =	srdreg.scid  }
0x8b: {  	s0 =	sand.u32 $0x1, s1  }
0x8c: {  	s16 =	sshll.u32 s0, $0xA;
	s2 =	sadd.s32 s3, s2  }
0x8d: {  	s2 =	sadd.s32 s2, s16  }
0x8e: {  	[smem:$0x3FC5] =	sst s2  }
0x8f: {  	_ = 	snop  }
0x90: {  	(tm) =	ssettm $0x1  }
0x91: {  	s17 =	sld [smem:$0x3FFB];
	_ =	sdelay $0x3  }
0x92: {  	_ =	strace s17  }
0x93: {  	s2 =	sld [smem:$0x3FFC];
	_ =	sdelay $0x3  }
0x94: {  	_ =	strace s2  }
0x95: {  	s2 =	sld [smem:$0x3FFD];
	_ =	sdelay $0x3  }
0x96: {  	_ =	strace s2  }
0x97: {  	_ =	strace $0x8FFFFFFF  }
0x98: {  	s18 =	sld [smem:$0x3FDB];
	_ =	sdelay $0x1  }
0x99: {  	s19 =	simm.s32 $_scs_section_size  }
0x9a: {  	s4 =	simm.s32 $_size__tile_overlayer_lowered;
	s5 =	simm.s32 $_tile_overlayer_lowered  }
0x9b: {  	s22 =	simm.s32 $0x1BFF;
	s21 =	sshll.u32 s5, $0x1;
	s2 =	sadd.s32 s19, s18  }
0x9c: {  	s6 =	simm.s32 $0x0;
	s20 =	sshll.u32 s4, $0x1;
	s4 =	sadd.s32 s21, s2  }
0x9d: {  	[timem:s6], [sflag:s22] =	dma.local [hbm:s4], s20  }
0x9e: {  	_ =	swait.ge [sflag:s22], s20  }
0x9f: {  	s3 =	ssub.s32 $0x0, s20;
	[sflag:s22] =	ssyncset.done $0x0  }
0xa0: {  	[sflag:s22] =	ssyncadd.s32 s3;
	_ =	sdelay $0x1  }
0xa1: {  	s23 =	simm.s32 $0x1B8B  }
0xa2: {  	_ =	swait.ge [sflag:s23], $0x1  }
0xa3: {  	[sflag:s23] =	ssyncset.done $0x0  }
0xa4: {  	s25 =	simm.s32 $0x1B8E;
	s24 =	sld [smem:$0x3FFE];
	[sflag:s23] =	ssyncadd.s32 $0xFFFFFFFF  }
0xa5: {  	s26 =	simm.s32 $execute0_lowered;
	[smem:$0x3FD2] =	sst s25  }
0xa6: {  	s4 =	sshll.u32 s26, $0x1;
	_ =	strace $0x80000046;
	[dreg:$0x1] =	wrdreg $0xFFFFFFFF  }
0xa7: {  	s28 =	simm.s32 $_size_execute0_lowered;
	s2 =	sadd.s32 s2, s4;
	[dreg:$0x0] =	wrdreg $0x0  }
0xa8: {  	s4 =	sshll.u32 s28, $0x1;
	[dreg:$0x2] =	wrdreg s2  }
0xa9: {  	[dreg:$0x3] =	wrdreg s4  }
0xaa: {  	[dreg:$0x4] =	wrdreg $0xC0  }
0xab: {  	_ =	task [dreg:s6], $0x5FFFF  }
0xac: {  	[dreg:$0x1] =	wrdreg $0xFFFFFFFF  }
0xad: {  	[dreg:$0x0] =	wrdreg $0x60  }
0xae: {  	[dreg:$0x2] =	wrdreg s24  }
0xaf: {  	[dreg:$0x3] =	wrdreg $0x9  }
0xb0: {  	_ =	task.clear_ibuf [dreg:s6], $0x4FFFF;
	_ =	strace $0x90000046  }
0xb1: {  	s29 =	simm.s32 $0x9;
	_ =	strace $0x80000048  }
0xb2: {  	_ =	swait.ge [sflag:s29], $0x1  }
0xb3: {  	[sflag:s29] =	ssyncadd.s32 $0xFFFFFFFF  }
0xb4: {  	_ =	strace $0x90000048  }
0xb5: {  	_ =	sfence  }
0xb6: {  	s30 =	sld [smem:$0x0];
	_ =	sdelay $0x2  }
0xb7: {  	s31 =	sshll.u32 s1, $0xD;
	s1 =	sshrl.u32 s1, $0x2  }
0xb8: {  	s3 =	sand.u32 $0x4000, s31;
	s1 =	sadd.s32 s1, s30  }
0xb9: {  	s0 =	sor.u32 s3, s0;
	s1 =	sshll.u32 s1, $0x11  }
0xba: {  	s0 =	sor.u32 s1, s0  }
0xbb: {  	s0 =	sadd.s32 $0x8F2B, s0  }
0xbc: {  	[sflag:s0] =	ssyncadd.remote.s32 $0x1  }
0xbd: {  	_ =	sfence.sel $0xFFFF  }
0xbe: {  	[dreg:$0x0] =	wrdreg $0xFFFFFFFF;
	(pc) =	sbr.abs _section_cstart, $3  }
0xbf: {  	[dreg:$0x1] =	wrdreg $0xFFFFFFFF  }
0xc0: {  	_ =	task.clear_ibuf [dreg:s6], $0x2FFFF;
	_ =	strace $0x9FFFFFFF  }
0xc1: {  	(tm) =	ssettm $0x7FFFFFFF  }
tec
execute0_lowered:
.L_overlay_start_1:
0x0: {  	(tag) =	ssettag $0x1  }
0x1: {  	s1 =	srdreg.scid;
	s0 =	stileid.u32  }
0x2: {  	s4 =	rddreg [dreg:$0x0];
	s2 =	simm.s32 $0x0;
	s17 =	simm.s32 $0x4800  }
0x3: {  	s18 =	simm.s32 $0x9000;
	s19 =	simm.s32 $0xD800;
	s20 =	simm.s32 $0x1  }
0x4: {  	s21 =	simm.s32 $0x12000;
	s22 =	simm.s32 $0x0;
	s5 =	sand.u32 $0x1, s1  }
0x5: {  	s1 =	rddreg [dreg:$0x1];
	s7 =	sshrl.u32 s0, $0x2;
	s9 =	smul.u32 $0x9000, s0  }
0x6: {  	s3 =	sshll.u32 s0, $0x1;
	[smem:$0x7FF] =	sst s2;
	s7 =	smul.u32 $0x1ADC000, s7  }
0x7: {  	s3 =	sor.u32 s5, s3;
	_ =	strace $0x80000047;
	s11 =	smul.u32 $0x4800, s5  }
0x8: {  	s10 =	ssub.s32 $0x2, s5;
	s6 =	smul.u32 $0x4800, s3;
	s8 =	sshll.u32 s3, $0x5  }
0x9: {  	s3 =	sadd.s32 $0x6C0000, s4;
	s26 =	sshrl.u32 s10, $0x1;
	s8 =	sadd.s32 s8, s4  }
0xa: {  	vm0 =	vcmask $0xB08;
	vm1 =	vcmask $0x300;
	s28 =	sadd.s32 s9, s7;
	s29 =	ssub.s32 s10, s26;
	s6 =	sshrl.u32 s6, $0x3  }
0xb: {  	vm0 =	vmor vm1, vm0;
	vm1 =	vcmask $0x1310;
	s14 =	sadd.s32 s11, s28;
	s7 =	smax.u32 s29, $0x1;
	s4 =	sadd.s32 s4, s6  }
0xc: {  	vm0 =	vmor vm0, vm1;
	vm1 =	vcmask $0x1B18;
	s6 =	sadd.s32 $0x24000, s8;
	s30 =	sor.u32 $0x10, s14;
	s8 =	sshrl.u32 s14, $0x1  }
0xd: {  	vm0 =	vmor vm0, vm1;
	vm1 =	vcmask $0x2320;
	s31 =	sor.u32 $0x20, s14;
	s11 =	sor.u32 $0x70, s14;
	s12 =	sor.u32 $0x30, s14  }
0xe: {  	vm0 =	vmor vm0, vm1;
	vm1 =	vcmask $0x2B28;
	s13 =	sor.u32 $0x60, s14;
	s15 =	sor.u32 $0x40, s14;
	s16 =	sor.u32 $0x50, s14  }
0xf: {  	vm0 =	vmor vm0, vm1;
	vm1 =	vcmask $0x3330;
	s5 =	sadd.s32 $0x12000, s4;
	s9 =	sshrl.u32 s30, $0x1;
	s10 =	sshrl.u32 s31, $0x1  }
0x10: {  	v0 =	vlaneseq.u32;
	vm0 =	vmor vm0, vm1;
	vm1 =	vcmask $0x3B38;
	s11 =	sshrl.u32 s11, $0x1;
	s12 =	sshrl.u32 s12, $0x1;
	s13 =	sshrl.u32 s13, $0x1  }
0x11: {  	v1 =	vimm.f32 $0.0e+00;
	v0 =	vshrl.u32 v0, $0x1;
	s14 =	sshrl.u32 s15, $0x1;
	s15 =	sshrl.u32 s16, $0x1;
	s16 =	simm.s32 $0x2;
	vm0 =	vmor vm0, vm1  }
.LBB2_1:
0x12: {  	[tilespmem:s2], [sflag:$0x2] =	stream.linear.gather [hbm4b:s4+s2], $0x4800, $0x38;
	[tilespmem:$0x12100] =	vst v63  }
0x13: {  	_ =	swait.ge [sflag:s16], $0x4800  }
0x14: {  	[sflag:s16] =	ssyncset.done $0x0  }
0x15: {  	[sflag:s16] =	ssyncadd.s32 $0xFFFFB800  }
0x16: {  	[tilespmem:s17], [sflag:$0x2] =	stream.linear.gather [hbm4b:s5+s2], $0x4800, $0x38;
	[tilespmem:$0x12100] =	vst v63  }
0x17: {  	_ =	swait.ge [sflag:s16], $0x4800  }
0x18: {  	[sflag:s16] =	ssyncset.done $0x0  }
0x19: {  	s24 =	simm.s32 $0x40;
	[sflag:s16] =	ssyncadd.s32 $0xFFFFB800  }
0x1a: {  	v2 =	vld [tilespmem:s24+$0xFFFFFFC0];
	_ =	sdelay $0x4  }
0x1b: {  	v2 =	vmul.u32 $0x12000, v2  }
0x1c: {  	s23 =	sadd.s32 $0x0, s8  }
0x1d: {  	v2 =	vadd.s32 s23, v2  }
0x1e: {  	s23 =	simm.s32 $0x9040;
	v2 =	vadd.s32 v0, v2  }
0x1f: {  	[tilespmem:s23+$0xFFFFFFC0] =	vst v2  }
0x20: {  	v2 =	vld [tilespmem:s24+$0xFFFFFFD0];
	_ =	sdelay $0x4  }
0x21: {  	v2 =	vmul.u32 $0x12000, v2  }
0x22: {  	s25 =	sadd.s32 $0x0, s9  }
0x23: {  	v2 =	vadd.s32 s25, v2  }
0x24: {  	v2 =	vadd.s32 v0, v2  }
0x25: {  	[tilespmem:s23+$0xFFFFFFD0] =	vst v2  }
0x26: {  	v2 =	vld [tilespmem:s24+$0xFFFFFFE0];
	_ =	sdelay $0x4  }
0x27: {  	v2 =	vmul.u32 $0x12000, v2  }
0x28: {  	s31 =	sadd.s32 $0x0, s10  }
0x29: {  	v2 =	vadd.s32 s31, v2  }
0x2a: {  	v2 =	vadd.s32 v0, v2  }
0x2b: {  	[tilespmem:s23+$0xFFFFFFE0] =	vst v2  }
0x2c: {  	v2 =	vld [tilespmem:s24+$0xFFFFFFF0];
	_ =	sdelay $0x4  }
0x2d: {  	v2 =	vmul.u32 $0x12000, v2  }
0x2e: {  	s26 =	sadd.s32 $0x0, s12  }
0x2f: {  	v2 =	vadd.s32 s26, v2  }
0x30: {  	v2 =	vadd.s32 v0, v2  }
0x31: {  	[tilespmem:s23+$0xFFFFFFF0] =	vst v2  }
0x32: {  	v2 =	vld [tilespmem:s24+$0x0];
	_ =	sdelay $0x4  }
0x33: {  	v2 =	vmul.u32 $0x12000, v2  }
0x34: {  	s28 =	sadd.s32 $0x0, s14  }
0x35: {  	v2 =	vadd.s32 s28, v2  }
0x36: {  	v2 =	vadd.s32 v0, v2  }
0x37: {  	[tilespmem:s23+$0x0] =	vst v2  }
0x38: {  	v2 =	vld [tilespmem:s24+$0x10];
	_ =	sdelay $0x4  }
0x39: {  	v2 =	vmul.u32 $0x12000, v2  }
0x3a: {  	s29 =	sadd.s32 $0x0, s15  }
0x3b: {  	v2 =	vadd.s32 s29, v2  }
0x3c: {  	v2 =	vadd.s32 v0, v2  }
0x3d: {  	[tilespmem:s23+$0x10] =	vst v2  }
0x3e: {  	v2 =	vld [tilespmem:s24+$0x20];
	_ =	sdelay $0x4  }
0x3f: {  	v2 =	vmul.u32 $0x12000, v2  }
0x40: {  	s30 =	sadd.s32 $0x0, s13  }
0x41: {  	v2 =	vadd.s32 s30, v2  }
0x42: {  	v2 =	vadd.s32 v0, v2  }
0x43: {  	[tilespmem:s23+$0x20] =	vst v2  }
0x44: {  	v2 =	vld [tilespmem:s24+$0x30];
	_ =	sdelay $0x4  }
0x45: {  	v2 =	vmul.u32 $0x12000, v2  }
0x46: {  	s31 =	sadd.s32 $0x0, s11  }
0x47: {  	v2 =	vadd.s32 s31, v2  }
0x48: {  	v2 =	vadd.s32 v0, v2  }
0x49: {  	s25 =	simm.s32 $0xC0;
	[tilespmem:s23+$0x30] =	vst v2  }
0x4a: {  	s26 =	simm.s32 $0x80;
	s24 =	simm.s32 $0x40;
	v2 =	vld [tilespmem:s25+$0xFFFFFFC0]  }
.LBB2_2:
0x4b: {  	p0 =	sne.s32 s26, $0x23C0;
	_ =	sdelay $0x3  }
0x4c: {  	v2 =	vmul.u32 $0x12000, v2  }
0x4d: {  	s28 =	sadd.s32 s24, s8  }
0x4e: {  	v2 =	vadd.s32 s28, v2  }
0x4f: {  	s23 =	sadd.s32 $0x80, s23;
	v2 =	vadd.s32 v0, v2  }
0x50: {  	[tilespmem:s23+$0xFFFFFFC0] =	vst v2  }
0x51: {  	v2 =	vld [tilespmem:s25+$0xFFFFFFD0];
	_ =	sdelay $0x4  }
0x52: {  	v2 =	vmul.u32 $0x12000, v2  }
0x53: {  	s28 =	sadd.s32 s24, s9  }
0x54: {  	v2 =	vadd.s32 s28, v2  }
0x55: {  	v2 =	vadd.s32 v0, v2  }
0x56: {  	[tilespmem:s23+$0xFFFFFFD0] =	vst v2  }
0x57: {  	v2 =	vld [tilespmem:s25+$0xFFFFFFE0];
	_ =	sdelay $0x4  }
0x58: {  	v2 =	vmul.u32 $0x12000, v2  }
0x59: {  	s28 =	sadd.s32 s24, s10  }
0x5a: {  	v2 =	vadd.s32 s28, v2  }
0x5b: {  	v2 =	vadd.s32 v0, v2  }
0x5c: {  	[tilespmem:s23+$0xFFFFFFE0] =	vst v2  }
0x5d: {  	v2 =	vld [tilespmem:s25+$0xFFFFFFF0];
	_ =	sdelay $0x4  }
0x5e: {  	v2 =	vmul.u32 $0x12000, v2  }
0x5f: {  	s28 =	sadd.s32 s24, s12  }
0x60: {  	v2 =	vadd.s32 s28, v2  }
0x61: {  	v2 =	vadd.s32 v0, v2  }
0x62: {  	[tilespmem:s23+$0xFFFFFFF0] =	vst v2  }
0x63: {  	v2 =	vld [tilespmem:s25+$0x0];
	_ =	sdelay $0x4  }
0x64: {  	v2 =	vmul.u32 $0x12000, v2  }
0x65: {  	s28 =	sadd.s32 s24, s14  }
0x66: {  	v2 =	vadd.s32 s28, v2  }
0x67: {  	v2 =	vadd.s32 v0, v2  }
0x68: {  	[tilespmem:s23+$0x0] =	vst v2  }
0x69: {  	v2 =	vld [tilespmem:s25+$0x10];
	_ =	sdelay $0x4  }
0x6a: {  	v2 =	vmul.u32 $0x12000, v2  }
0x6b: {  	s28 =	sadd.s32 s24, s15  }
0x6c: {  	v2 =	vadd.s32 s28, v2  }
0x6d: {  	v2 =	vadd.s32 v0, v2  }
0x6e: {  	[tilespmem:s23+$0x10] =	vst v2  }
0x6f: {  	v2 =	vld [tilespmem:s25+$0x20];
	_ =	sdelay $0x4  }
0x70: {  	v2 =	vmul.u32 $0x12000, v2  }
0x71: {  	s28 =	sadd.s32 s24, s13  }
0x72: {  	v2 =	vadd.s32 s28, v2  }
0x73: {  	v2 =	vadd.s32 v0, v2  }
0x74: {  	[tilespmem:s23+$0x20] =	vst v2  }
0x75: {  	v2 =	vld [tilespmem:s25+$0x30];
	_ =	sdelay $0x4  }
0x76: {  	v2 =	vmul.u32 $0x12000, v2  }
.Ltmp0:
0x77: {  	s28 =	sadd.s32 s24, s11;
	s24 =	smov.u32 s26;
	(pc) =	sbr.rel @p0 .LBB2_2-.Ltmp0, $4  }
0x78: {  	v2 =	vadd.s32 s28, v2  }
0x79: {  	v2 =	vadd.s32 v0, v2  }
0x7a: {  	s25 =	sadd.s32 $0x80, s25;
	[tilespmem:s23+$0x30] =	vst v2  }
0x7b: {  	s26 =	sadd.s32 $0x40, s26;
	v2 =	vld [tilespmem:s25+$0xFFFFFFC0]  }
0x7c: {  	_ =	sdelay $0x3  }
0x7d: {  	v2 =	vmul.u32 $0x12000, v2  }
0x7e: {  	s26 =	sadd.s32 s24, s8  }
0x7f: {  	v2 =	vadd.s32 s26, v2  }
0x80: {  	s23 =	sadd.s32 $0x80, s23;
	v2 =	vadd.s32 v0, v2  }
0x81: {  	[tilespmem:s23+$0xFFFFFFC0] =	vst v2  }
0x82: {  	v2 =	vld [tilespmem:s25+$0xFFFFFFD0];
	_ =	sdelay $0x4  }
0x83: {  	v2 =	vmul.u32 $0x12000, v2  }
0x84: {  	s28 =	sadd.s32 s24, s9  }
0x85: {  	v2 =	vadd.s32 s28, v2  }
0x86: {  	v2 =	vadd.s32 v0, v2  }
0x87: {  	[tilespmem:s23+$0xFFFFFFD0] =	vst v2  }
0x88: {  	v2 =	vld [tilespmem:s25+$0xFFFFFFE0];
	_ =	sdelay $0x4  }
0x89: {  	v2 =	vmul.u32 $0x12000, v2  }
0x8a: {  	s29 =	sadd.s32 s24, s10  }
0x8b: {  	v2 =	vadd.s32 s29, v2  }
0x8c: {  	v2 =	vadd.s32 v0, v2  }
0x8d: {  	[tilespmem:s23+$0xFFFFFFE0] =	vst v2  }
0x8e: {  	v2 =	vld [tilespmem:s25+$0xFFFFFFF0];
	_ =	sdelay $0x4  }
0x8f: {  	v2 =	vmul.u32 $0x12000, v2  }
0x90: {  	s30 =	sadd.s32 s24, s12  }
0x91: {  	v2 =	vadd.s32 s30, v2  }
0x92: {  	v2 =	vadd.s32 v0, v2  }
0x93: {  	[tilespmem:s23+$0xFFFFFFF0] =	vst v2  }
0x94: {  	v2 =	vld [tilespmem:s25+$0x0];
	_ =	sdelay $0x4  }
0x95: {  	v2 =	vmul.u32 $0x12000, v2  }
0x96: {  	s31 =	sadd.s32 s24, s14  }
0x97: {  	v2 =	vadd.s32 s31, v2  }
0x98: {  	v2 =	vadd.s32 v0, v2  }
0x99: {  	[tilespmem:s23+$0x0] =	vst v2  }
0x9a: {  	v2 =	vld [tilespmem:s25+$0x10];
	_ =	sdelay $0x4  }
0x9b: {  	v2 =	vmul.u32 $0x12000, v2  }
0x9c: {  	s28 =	sadd.s32 s24, s15  }
0x9d: {  	v2 =	vadd.s32 s28, v2  }
0x9e: {  	v2 =	vadd.s32 v0, v2  }
0x9f: {  	[tilespmem:s23+$0x10] =	vst v2  }
0xa0: {  	v2 =	vld [tilespmem:s25+$0x20];
	_ =	sdelay $0x4  }
0xa1: {  	v2 =	vmul.u32 $0x12000, v2  }
0xa2: {  	s29 =	sadd.s32 s24, s13  }
0xa3: {  	v2 =	vadd.s32 s29, v2  }
0xa4: {  	v2 =	vadd.s32 v0, v2  }
0xa5: {  	[tilespmem:s23+$0x20] =	vst v2  }
0xa6: {  	v2 =	vld [tilespmem:s25+$0x30];
	_ =	sdelay $0x4  }
0xa7: {  	v2 =	vmul.u32 $0x12000, v2  }
0xa8: {  	s30 =	sadd.s32 s24, s11  }
0xa9: {  	v2 =	vadd.s32 s30, v2  }
0xaa: {  	v2 =	vadd.s32 v0, v2  }
0xab: {  	[tilespmem:s23+$0x30] =	vst v2  }
0xac: {  	[tilespmem:s19], [sflag:$0x1] =	stream.indirect.gather [hbm4b:s3+s17], $0x1, s18, s17, $0xb8;
	[tilespmem:$0x12100] =	vst v63  }
0xad: {  	_ =	swait.ge [sflag:s20], $0x4800  }
0xae: {  	[sflag:s20] =	ssyncset.done $0x0  }
0xaf: {  	s31 =	simm.s32 $0x0;
	[sflag:s20] =	ssyncadd.s32 $0xFFFFB800  }
0xb0: {  	v2 =	vld [tilespmem:s31+$0x4870]  }
0xb1: {  	v14 =	vld [tilespmem:s31+$0xD870]  }
0xb2: {  	v3 =	vld [tilespmem:s31+$0x4860]  }
0xb3: {  	v4 =	vld [tilespmem:s31+$0x4850]  }
0xb4: {  	v7 =	vld [tilespmem:s31+$0xD850]  }
0xb5: {  	v5 =	vld [tilespmem:s31+$0x4840]  }
0xb6: {  	v10 =	vld [tilespmem:s31+$0xD840]  }
0xb7: {  	v6 =	vld [tilespmem:s31+$0x4830]  }
0xb8: {  	v9 =	vld [tilespmem:s31+$0xD830]  }
0xb9: {  	v8 =	vld [tilespmem:s31+$0x4820]  }
0xba: {  	v12 =	vld [tilespmem:s31+$0xD820]  }
0xbb: {  	v13 =	vld [tilespmem:s31+$0x4810]  }
0xbc: {  	v15 =	vld [tilespmem:s31+$0xD800]  }
0xbd: {  	v16 =	vimm.f32 $0.0e+00;
	v17 =	vld [tilespmem:s31+$0x4800];
	vm2 =	vge.f32 v3, $5.000000000e-01;
	v18 =	vand.u32 $0xFFFF0000, v14  }
0xbe: {  	vm1 =	vge.f32 v2, $5.000000000e-01;
	v19 =	vand.u32 $0xFFFF0000, v7;
	vm3 =	vge.f32 v4, $5.000000000e-01  }
0xbf: {  	v3 =	vld [tilespmem:s31+$0xD810];
	vm5 =	vge.f32 v6, $5.000000000e-01;
	v21 =	vand.u32 $0xFFFF0000, v10;
	vm4 =	vge.f32 v5, $5.000000000e-01  }
0xc0: {  	v4 =	vand.u32 $0xFFFF0000, v12;
	vm6 =	vge.f32 v8, $5.000000000e-01;
	v5 =	vand.u32 $0xFFFF0000, v9  }
0xc1: {  	v2 =	vand.u32 $0xFFFF0000, v15;
	v6 =	vshll.u32 v15, $0x10;
	vm7 =	vge.f32 v13, $5.000000000e-01  }
0xc2: {  	vm8 =	vge.f32 v17, $5.000000000e-01;
	v12 =	vshll.u32 v12, $0x10;
	v14 =	vshll.u32 v14, $0x10  }
0xc3: {  	v2 =	vsel vm0, v6, v2;
	v13 =	vsel vm8, $0x3F800000, v1;
	v4 =	vsel vm0, v12, v4  }
0xc4: {  	s23 =	simm.s32 $0x80;
	v11 =	vld [tilespmem:s31+$0xD860];
	v2 =	vnsel vm8, $0x0, v2;
	v8 =	vand.u32 $0xFFFF0000, v3;
	v3 =	vshll.u32 v3, $0x10  }
0xc5: {  	v6 =	vld [tilespmem:s23+$0x4870];
	v13 =	vadd.f32 v13, v16;
	v15 =	vadd.f32 v2, v16;
	v3 =	vsel vm0, v3, v8  }
0xc6: {  	v18 =	vsel vm0, v14, v18;
	v14 =	vld [tilespmem:s23+$0xD810];
	v16 =	vsel vm7, $0x3F800000, v1;
	v3 =	vnsel vm7, $0x0, v3  }
0xc7: {  	v2 =	vld [tilespmem:s23+$0xD870];
	v12 =	vadd.f32 v16, v13;
	v13 =	vshll.u32 v9, $0x10;
	v15 =	vadd.f32 v3, v15  }
0xc8: {  	v4 =	vnsel vm6, $0x0, v4;
	v16 =	vsel vm6, $0x3F800000, v1;
	v9 =	vld [tilespmem:s23+$0x4850];
	v5 =	vsel vm0, v13, v5  }
0xc9: {  	v13 =	vshll.u32 v10, $0x10;
	v10 =	vld [tilespmem:s23+$0x4840];
	v12 =	vadd.f32 v16, v12;
	v15 =	vadd.f32 v4, v15  }
0xca: {  	v20 =	vand.u32 $0xFFFF0000, v11;
	v8 =	vld [tilespmem:s23+$0x4860];
	v5 =	vnsel vm5, $0x0, v5;
	v16 =	vsel vm5, $0x3F800000, v1  }
0xcb: {  	v13 =	vsel vm0, v13, v21;
	v3 =	vld [tilespmem:s23+$0xD860];
	v16 =	vadd.f32 v16, v12;
	v15 =	vadd.f32 v5, v15  }
0xcc: {  	v7 =	vshll.u32 v7, $0x10;
	v17 =	vsel vm4, $0x3F800000, v1;
	v13 =	vnsel vm4, $0x0, v13;
	v12 =	vld [tilespmem:s23+$0x4830]  }
0xcd: {  	v4 =	vld [tilespmem:s23+$0xD850];
	v16 =	vadd.f32 v17, v16;
	v15 =	vadd.f32 v13, v15;
	v13 =	vsel vm0, v7, v19  }
0xce: {  	v11 =	vshll.u32 v11, $0x10;
	v5 =	vld [tilespmem:s23+$0xD840];
	v19 =	vsel vm3, $0x3F800000, v1;
	v17 =	vnsel vm3, $0x0, v13  }
0xcf: {  	v7 =	vld [tilespmem:s23+$0xD830];
	v19 =	vadd.f32 v19, v16;
	v17 =	vadd.f32 v17, v15;
	v15 =	vsel vm0, v11, v20  }
0xd0: {  	v13 =	vld [tilespmem:s23+$0x4820];
	v20 =	vsel vm2, $0x3F800000, v1;
	v16 =	vnsel vm2, $0x0, v15  }
0xd1: {  	v11 =	vld [tilespmem:s23+$0xD820];
	v16 =	vadd.f32 v16, v17;
	v17 =	vadd.f32 v20, v19  }
0xd2: {  	s24 =	simm.s32 $0x400;
	v18 =	vnsel vm1, $0x0, v18;
	v15 =	vld [tilespmem:s23+$0x4810];
	v19 =	vsel vm1, $0x3F800000, v1  }
.LBB2_4:
0xd3: {  	p0 =	sne.s32 s24, $0x11E00;
	v20 =	vld [tilespmem:s23+$0xD800];
	v16 =	vadd.f32 v18, v16;
	v17 =	vadd.f32 v19, v17  }
0xd4: {  	vm2 =	vge.f32 v8, $5.000000000e-01;
	v19 =	vand.u32 $0xFFFF0000, v2;
	vm1 =	vge.f32 v6, $5.000000000e-01;
	v18 =	vld [tilespmem:s23+$0x4800]  }
0xd5: {  	v21 =	vand.u32 $0xFFFF0000, v4;
	vm3 =	vge.f32 v9, $5.000000000e-01;
	v22 =	vand.u32 $0xFFFF0000, v3  }
0xd6: {  	vm5 =	vge.f32 v12, $5.000000000e-01;
	v12 =	vand.u32 $0xFFFF0000, v5;
	vm4 =	vge.f32 v10, $5.000000000e-01  }
0xd7: {  	v10 =	vand.u32 $0xFFFF0000, v7;
	vm6 =	vge.f32 v13, $5.000000000e-01;
	v9 =	vand.u32 $0xFFFF0000, v11  }
0xd8: {  	vm7 =	vge.f32 v15, $5.000000000e-01;
	v6 =	vand.u32 $0xFFFF0000, v20;
	v8 =	vshll.u32 v20, $0x10  }
0xd9: {  	v6 =	vsel vm0, v8, v6;
	vm8 =	vge.f32 v18, $5.000000000e-01;
	v8 =	vand.u32 $0xFFFF0000, v14  }
0xda: {  	s23 =	sshra.s32 s24, $0x2;
	v14 =	vshll.u32 v14, $0x10;
	v13 =	vnsel vm8, $0x0, v6;
	v15 =	vsel vm8, $0x3F800000, v1  }
0xdb: {  	v8 =	vsel vm0, v14, v8;
	v6 =	vld [tilespmem:s23+$0x4870];
	v13 =	vadd.f32 v13, v16;
	v15 =	vadd.f32 v15, v17  }
0xdc: {  	v11 =	vshll.u32 v11, $0x10;
	v16 =	vnsel vm7, $0x0, v8;
	v17 =	vsel vm7, $0x3F800000, v1;
	v14 =	vld [tilespmem:s23+$0xD870]  }
0xdd: {  	v9 =	vsel vm0, v11, v9;
	v8 =	vld [tilespmem:s23+$0x4860];
	v13 =	vadd.f32 v16, v13;
	v15 =	vadd.f32 v17, v15  }
0xde: {  	v7 =	vshll.u32 v7, $0x10;
	v16 =	vnsel vm6, $0x0, v9;
	v17 =	vsel vm6, $0x3F800000, v1;
	v11 =	vld [tilespmem:s23+$0xD860]  }
0xdf: {  	v7 =	vsel vm0, v7, v10;
	v9 =	vld [tilespmem:s23+$0x4850];
	v13 =	vadd.f32 v16, v13;
	v15 =	vadd.f32 v17, v15  }
0xe0: {  	v5 =	vshll.u32 v5, $0x10;
	v7 =	vnsel vm5, $0x0, v7;
	v17 =	vsel vm5, $0x3F800000, v1;
	v16 =	vld [tilespmem:s23+$0xD850]  }
0xe1: {  	v12 =	vsel vm0, v5, v12;
	v10 =	vld [tilespmem:s23+$0x4840];
	v7 =	vadd.f32 v7, v13;
	v13 =	vadd.f32 v17, v15  }
0xe2: {  	v4 =	vshll.u32 v4, $0x10;
	v15 =	vnsel vm4, $0x0, v12;
	v17 =	vsel vm4, $0x3F800000, v1;
	v5 =	vld [tilespmem:s23+$0xD840]  }
0xe3: {  	v24 =	vsel vm0, v4, v21;
	v12 =	vld [tilespmem:s23+$0x4830];
	v15 =	vadd.f32 v15, v7;
	v17 =	vadd.f32 v17, v13  }
.Ltmp1:
0xe4: {  	v23 =	vnsel vm3, $0x0, v24;
	v20 =	vshll.u32 v3, $0x10;
	v18 =	vsel vm3, $0x3F800000, v1;
	v3 =	vmovc v11;
	v7 =	vld [tilespmem:s23+$0xD830];
	(pc) =	sbr.rel @p0 .LBB2_4-.Ltmp1, $4  }
0xe5: {  	v13 =	vld [tilespmem:s23+$0x4820];
	v21 =	vadd.f32 v23, v15;
	v17 =	vadd.f32 v18, v17;
	v15 =	vsel vm0, v20, v22;
	v4 =	vmovc v16  }
0xe6: {  	v18 =	vsel vm2, $0x3F800000, v1;
	v20 =	vshll.u32 v2, $0x10;
	v2 =	vmovc v14;
	v11 =	vld [tilespmem:s23+$0xD820];
	v16 =	vnsel vm2, $0x0, v15  }
0xe7: {  	v15 =	vld [tilespmem:s23+$0x4810];
	v16 =	vadd.f32 v16, v21;
	v17 =	vadd.f32 v18, v17;
	v18 =	vsel vm0, v20, v19  }
0xe8: {  	s24 =	sadd.s32 $0x200, s24;
	v19 =	vsel vm1, $0x3F800000, v1;
	v14 =	vld [tilespmem:s23+$0xD810];
	v18 =	vnsel vm1, $0x0, v18  }
0xe9: {  	v20 =	vld [tilespmem:s23+$0xD800];
	v16 =	vadd.f32 v18, v16  }
0xea: {  	v17 =	vadd.f32 v19, v17;
	v35 =	vld [tilespmem:s23+$0x4800];
	vm2 =	vge.f32 v8, $5.000000000e-01;
	v36 =	vand.u32 $0xFFFF0000, v2  }
0xeb: {  	vm1 =	vge.f32 v6, $5.000000000e-01;
	v37 =	vand.u32 $0xFFFF0000, v4;
	vm3 =	vge.f32 v9, $5.000000000e-01  }
0xec: {  	v38 =	vand.u32 $0xFFFF0000, v3;
	vm5 =	vge.f32 v12, $5.000000000e-01;
	v39 =	vand.u32 $0xFFFF0000, v5  }
0xed: {  	vm4 =	vge.f32 v10, $5.000000000e-01;
	v41 =	vand.u32 $0xFFFF0000, v7;
	vm6 =	vge.f32 v13, $5.000000000e-01  }
0xee: {  	v40 =	vand.u32 $0xFFFF0000, v11;
	v42 =	vand.u32 $0xFFFF0000, v20;
	v20 =	vshll.u32 v20, $0x10  }
0xef: {  	vm7 =	vge.f32 v15, $5.000000000e-01;
	vm8 =	vge.f32 v35, $5.000000000e-01;
	v43 =	vsel vm0, v20, v42  }
0xf0: {  	v44 =	vand.u32 $0xFFFF0000, v14;
	v45 =	vshll.u32 v14, $0x10;
	v15 =	vnsel vm8, $0x0, v43  }
0xf1: {  	v14 =	vsel vm0, v45, v44;
	v46 =	vsel vm8, $0x3F800000, v1;
	v15 =	vadd.f32 v15, v16  }
0xf2: {  	v48 =	vshll.u32 v11, $0x10;
	v14 =	vnsel vm7, $0x0, v14;
	v47 =	vadd.f32 v46, v17  }
0xf3: {  	v10 =	vsel vm0, v48, v40;
	v49 =	vsel vm7, $0x3F800000, v1;
	v14 =	vadd.f32 v14, v15  }
0xf4: {  	v51 =	vshll.u32 v7, $0x10;
	v10 =	vnsel vm6, $0x0, v10;
	v50 =	vadd.f32 v49, v47  }
0xf5: {  	v7 =	vsel vm0, v51, v41;
	v52 =	vsel vm6, $0x3F800000, v1;
	v10 =	vadd.f32 v10, v14  }
0xf6: {  	v53 =	vshll.u32 v5, $0x10;
	v7 =	vnsel vm5, $0x0, v7;
	v11 =	vadd.f32 v52, v50  }
0xf7: {  	v54 =	vsel vm5, $0x3F800000, v1;
	v5 =	vsel vm0, v53, v39;
	v7 =	vadd.f32 v7, v10  }
0xf8: {  	v56 =	vshll.u32 v4, $0x10;
	v5 =	vnsel vm4, $0x0, v5;
	v55 =	vadd.f32 v54, v11  }
0xf9: {  	v57 =	vsel vm4, $0x3F800000, v1;
	v4 =	vsel vm0, v56, v37;
	v5 =	vadd.f32 v5, v7  }
0xfa: {  	v3 =	vshll.u32 v3, $0x10;
	v4 =	vnsel vm3, $0x0, v4;
	v58 =	vadd.f32 v57, v55  }
0xfb: {  	v59 =	vsel vm3, $0x3F800000, v1;
	v3 =	vsel vm0, v3, v38;
	v4 =	vadd.f32 v4, v5  }
0xfc: {  	v2 =	vshll.u32 v2, $0x10;
	v3 =	vnsel vm2, $0x0, v3;
	v60 =	vadd.f32 v59, v58  }
0xfd: {  	v61 =	vsel vm2, $0x3F800000, v1;
	v2 =	vsel vm0, v2, v36;
	v3 =	vadd.f32 v3, v4  }
0xfe: {  	v2 =	vnsel vm1, $0x0, v2;
	v62 =	vadd.f32 v61, v60  }
0xff: {  	v63 =	vsel vm1, $0x3F800000, v1;
	v2 =	vadd.f32 v2, v3  }
0x100: {  	s22 =	sadd.s32 $0x1, s22;
	v3 =	vadd.f32 v63, v62  }
0x101: {  	p0 =	sne.s32 s22, s7;
	[tilespmem:$0x12000] =	vst v2  }
.Ltmp2:
0x102: {  	[tilespmem:$0x12080] =	vst v3;
	(pc) =	sbr.rel @p0 .LBB2_1-.Ltmp2, $4  }
0x103: {  	[hbm4b:s6+s2] =	stream.linear.scatter [tilespmem:s21], [sflag:$0x2], $0x100, $0x38;
	[tilespmem:$0x12100] =	vst v63  }
0x104: {  	_ =	swait.ge [sflag:s16], $0x100  }
0x105: {  	[sflag:s16] =	ssyncset.done $0x0  }
0x106: {  	[sflag:s16] =	ssyncadd.s32 $0xFFFFFF00  }
0x107: {  	_ =	sfence.sel $0x180000  }
0x108: {  	[bflag:$0x0] =	sbarrier.arrive $0xFFFF  }
0x109: {  	p0 =	sne.s32 s0, $0x0;
	_ =	strace $0x90000047  }
0x10a: {  	s0 =	sadd.s32 @!p0 $0x100000, s1;
	[bflag:$0x2] =	sbarrier.arrive $0xFFFF  }
0x10b: {  	[sflag:s0] =	ssyncadd.tile.s32 @!p0 $0x1;
	_ =	shalt  }
.Lfunc_end2:
_tile_overlayer_lowered:
.L_overlay_start_2:
0x10c: {  	(tag) =	ssettag $0x2  }
0x10d: {  	s0 =	rddreg [dreg:$0x0];
	s2 =	stileid.u32  }
0x10e: {  	s1 =	rddreg [dreg:$0x1];
	p0 =	sne.s32 s2, $0x0  }
0x10f: {  	s3 =	rddreg [dreg:$0x2];
	[bflag:$0x3] =	sbarrier.arrive $0xFFFF;
	s2 =	simm.s32 @!p0 $0x1C02  }
0x110: {  	[timem:s3], [sflag:s2] =	dma.local @!p0 [hbm:s0], s1  }
0x111: {  	s0 =	simm.s32 @!p0 $0x2  }
0x112: {  	_ =	swait.ge @!p0 [sflag:s0], s1  }
0x113: {  	s1 =	ssub.s32 @!p0 $0x0, s1;
	[sflag:s0] =	ssyncset.done @!p0 $0x0  }
0x114: {  	[sflag:s0] =	ssyncadd.s32 @!p0 s1  }
0x115: {  	[bflag:$0x3] =	sbarrier.arrive $0xFFFF  }
0x116: {  	_ =	shalt  }

</sc_bundles>
